<compile_context>
chip_gen: v7x
topology: tpu7x:2x2x1
jax: 0.10.2.dev20260603
libtpu: 0.0.44.dev20260713+nightly
codegen_flags: <defaults>
</compile_context>

<pallas_src>
import functools

import jax
import jax.numpy as jnp
from jax import lax
from jax.experimental import pallas as pl
from jax.experimental.pallas import tpu as pltpu
from jax.experimental.pallas import tpu_sc as plsc

_NC = 2
_NS = 16
_NW = _NC * _NS
_LANES = 16


def _mesh():
    return plsc.VectorSubcoreMesh(
        core_axis_name="c", subcore_axis_name="s", num_cores=_NC, num_subcores=_NS
    )


def _winner_tables(flat_idx, symbol_idx, neg1, n_rows):
    e = flat_idx.shape[0]
    chunk = e // _NW

    @functools.partial(
        pl.kernel,
        out_type=jax.ShapeDtypeStruct((_NW, n_rows), jnp.int32),
        mesh=_mesh(),
        compiler_params=pltpu.CompilerParams(needs_layout_passes=False),
        scratch_types=[
            pltpu.VMEM((chunk,), jnp.int32),
            pltpu.VMEM((chunk,), jnp.int32),
            pltpu.VMEM((n_rows,), jnp.int32),
            pltpu.VMEM((2 * _LANES,), jnp.int32),
        ],
    )
    def k(fi_hbm, si_hbm, neg1_hbm, tables_hbm, fi_v, si_v, tbl_v, shf_v):
        wid = lax.axis_index("s") * _NC + lax.axis_index("c")
        base = wid * chunk
        pltpu.sync_copy(fi_hbm.at[pl.ds(base, chunk)], fi_v)
        pltpu.sync_copy(si_hbm.at[pl.ds(base, chunk)], si_v)
        pltpu.sync_copy(neg1_hbm, tbl_v)
        lanes = lax.iota(jnp.int32, _LANES)
        shf_v[pl.ds(_LANES, _LANES)] = jnp.zeros((_LANES,), jnp.int32)

        def body(g, carry):
            off = g * _LANES
            fi = fi_v[pl.ds(off, _LANES)]
            si = si_v[pl.ds(off, _LANES)]
            key = fi * chunk + (off + lanes)
            skey, sval = plsc.sort_key_val(key, si)
            row = skey // chunk
            shf_v[pl.ds(0, _LANES)] = row
            nxt = shf_v[pl.ds(1, _LANES)]
            surv = (row != nxt) | (lanes == _LANES - 1)
            plsc.store_scatter(tbl_v, [row], sval, mask=surv)
            return carry

        lax.fori_loop(0, chunk // _LANES, body, 0)
        pltpu.sync_copy(tbl_v, tables_hbm.at[wid])

    return k(flat_idx, symbol_idx, neg1)


def _combine_gather(tables, symi, n_rows, w):
    rows_per_w = n_rows // _NW
    gb = 64
    ring = 2
    nb = rows_per_w // gb

    @functools.partial(
        pl.kernel,
        out_type=(
            jax.ShapeDtypeStruct((n_rows,), jnp.int32),
            jax.ShapeDtypeStruct((n_rows, w), jnp.int32),
        ),
        mesh=_mesh(),
        scratch_types=[
            pltpu.VMEM((_NW, rows_per_w), jnp.int32),
            pltpu.VMEM((rows_per_w,), jnp.int32),
            pltpu.VMEM((rows_per_w,), jnp.int32),
            [pltpu.VMEM((gb, w), jnp.int32) for _ in range(ring)],
            [pltpu.SemaphoreType.DMA for _ in range(ring)],
            pltpu.SemaphoreType.DMA,
        ],
    )
    def k(tables_hbm, symi_hbm, win_hbm, u_hbm, tbuf, win_v, idx_v, bufs, gsems, osem):
        wid = lax.axis_index("s") * _NC + lax.axis_index("c")
        rbase = wid * rows_per_w
        pltpu.sync_copy(tables_hbm.at[:, pl.ds(rbase, rows_per_w)], tbuf)

        def cbody(g, carry):
            acc = jnp.full((_LANES,), -1, jnp.int32)
            for c in range(_NW):
                t = tbuf[c, pl.ds(g * _LANES, _LANES)]
                acc = jnp.where(t >= 0, t, acc)
            win_v[pl.ds(g * _LANES, _LANES)] = acc
            idx_v[pl.ds(g * _LANES, _LANES)] = jnp.maximum(acc, 0)
            return carry

        lax.fori_loop(0, rows_per_w // _LANES, cbody, 0)
        pltpu.sync_copy(win_v, win_hbm.at[pl.ds(rbase, rows_per_w)])

        def gstart(g, j):
            pltpu.async_copy(
                symi_hbm.at[idx_v.at[pl.ds(g * gb, gb)]], bufs[j], gsems[j]
            )

        def gwait(j):
            pltpu.make_async_copy(
                symi_hbm.at[idx_v.at[pl.ds(0, gb)]], bufs[j], gsems[j]
            ).wait()

        def ostart(g, j):
            pltpu.async_copy(bufs[j], u_hbm.at[pl.ds(rbase + g * gb, gb)], osem)

        def owait(j):
            pltpu.make_async_copy(bufs[j], u_hbm.at[pl.ds(rbase, gb)], osem).wait()

        for j in range(ring - 1):
            gstart(j, j)

        def pbody(i, carry):
            for j in range(ring):
                g = ring * i + j
                jp = (j + ring - 1) % ring
                if j == 0:
                    @pl.when(i > 0)
                    def _():
                        owait(jp)
                else:
                    owait(jp)

                @pl.when(g + ring - 1 < nb)
                def _():
                    gstart(g + ring - 1, jp)

                gwait(j)
                ostart(g, j)
            return carry

        lax.fori_loop(0, nb // ring, pbody, 0)
        owait(ring - 1)

    return k(tables, symi)


def _fused_body(flat_ref, u_ref, win_ref, wtop_ref, wbote_ref, wboto_ref, bias_ref, out_ref):
    prev = flat_ref[...]
    w32 = u_ref[...]
    ueven = pltpu.bitcast(w32 << 16, jnp.float32).astype(jnp.bfloat16)
    uodd = pltpu.bitcast(w32 & jnp.int32(-65536), jnp.float32).astype(jnp.bfloat16)
    zh = (
        jnp.dot(prev.astype(jnp.bfloat16), wtop_ref[...], preferred_element_type=jnp.float32)
        + jnp.dot(ueven, wbote_ref[...], preferred_element_type=jnp.float32)
        + jnp.dot(uodd, wboto_ref[...], preferred_element_type=jnp.float32)
        + bias_ref[...]
    )
    d = prev.shape[-1]
    z = jax.nn.sigmoid(zh[:, :d])
    h = jnp.tanh(zh[:, d:])
    blk = prev.shape[0]
    maskf = (win_ref[0, 0, :] >= 0).astype(jnp.float32).reshape(blk, 1)
    out_ref[...] = prev + (maskf * z) * (h - prev)


def _fused_update(flat, u_i32, win_sym, w_top, w_bote, w_boto, bias, blk=512):
    n, d = flat.shape
    h = d // 2
    grid = n // blk
    win3 = win_sym.reshape(grid, 1, blk)
    return pl.pallas_call(
        _fused_body,
        grid=(grid,),
        in_specs=[
            pl.BlockSpec((blk, d), lambda i: (i, 0)),
            pl.BlockSpec((blk, h), lambda i: (i, 0)),
            pl.BlockSpec((1, 1, blk), lambda i: (i, 0, 0)),
            pl.BlockSpec((d, 2 * d), lambda i: (0, 0)),
            pl.BlockSpec((h, 2 * d), lambda i: (0, 0)),
            pl.BlockSpec((h, 2 * d), lambda i: (0, 0)),
            pl.BlockSpec((1, 2 * d), lambda i: (0, 0)),
        ],
        out_specs=pl.BlockSpec((blk, d), lambda i: (i, 0)),
        out_shape=jax.ShapeDtypeStruct((n, d), jnp.float32),
    )(flat, u_i32, win3, w_top, w_bote, w_boto, bias)


def kernel(expressions_encodings, symbols_encodings, expr_idx, token_idx, symbol_idx, W_z, b_z, W_h, b_h):
    b, l, d = expressions_encodings.shape
    n = b * l
    flat_idx = l * expr_idx.astype(jnp.int32) + token_idx.astype(jnp.int32)
    flat = expressions_encodings.reshape(n, d)
    neg1 = jnp.full((n,), -1, jnp.int32)

    tables = _winner_tables(flat_idx, symbol_idx.astype(jnp.int32), neg1, n)

    s_rows = symbols_encodings.shape[0]
    w = d // 2
    sym_b = symbols_encodings.astype(jnp.bfloat16)
    sym_i32 = jax.lax.bitcast_convert_type(sym_b.reshape(s_rows, w, 2), jnp.int32)
    win_sym, u_i32 = _combine_gather(tables, sym_i32, n, w)

    w_top = jnp.concatenate([W_z[:d], W_h[:d]], axis=1).astype(jnp.bfloat16)
    w_bot = jnp.concatenate([W_z[d:], W_h[d:]], axis=1).astype(jnp.bfloat16)
    bias = jnp.concatenate([b_z, b_h]).reshape(1, 2 * d)

    out = _fused_update(flat, u_i32, win_sym, w_top, w_bot[0::2], w_bot[1::2], bias)
    return out.reshape(b, l, d)

# --- scband reference (transcript-rebuilt; emitter-appended) ---
"""Pipeline reference for scband-method-cfgencoder-v2-41987600285768 (READ-ONLY COPY).

The authoritative reference and input builder live on the scoring server;
editing this copy changes nothing except your own understanding.
"""

import jax, jax.numpy as jnp
import numpy as np

B, L, D, S, E = 2048, 32, 512, 8192, 131072

def setup_inputs(seed: int = 0) -> dict:
    key = jax.random.key(seed)
    ks = jax.random.split(key, 8)
    return {
        "expressions_encodings": jax.random.normal(ks[0], (B, L, D), dtype=jnp.float32),
        "symbols_encodings": jax.random.normal(ks[1], (S, D), dtype=jnp.float32),
        "expr_idx": jax.random.randint(ks[2], (E,), 0, B, dtype=jnp.int64) if jax.config.jax_enable_x64 else jax.random.randint(ks[2], (E,), 0, B).astype(jnp.int32),
        "token_idx": jax.random.randint(ks[3], (E,), 0, L).astype(jnp.int32),
        "symbol_idx": jax.random.randint(ks[4], (E,), 0, S).astype(jnp.int32),
        "W_z": (jax.random.normal(ks[5], (2 * D, D), dtype=jnp.float32) / np.sqrt(2.0 * D)).astype(jnp.float32),
        "b_z": jnp.zeros((D,), dtype=jnp.float32),
        "W_h": (jax.random.normal(ks[6], (2 * D, D), dtype=jnp.float32) / np.sqrt(2.0 * D)).astype(jnp.float32),
        "b_h": jnp.zeros((D,), dtype=jnp.float32),
    }

def reference(expressions_encodings, symbols_encodings, expr_idx, token_idx, symbol_idx, W_z, b_z, W_h, b_h):
    b, l, d = expressions_encodings.shape
    # flat token index of each symbol occurrence: L * cfg_expression_idx + expression_token_idx
    flat_idx = l * expr_idx.astype(jnp.int32) + token_idx.astype(jnp.int32)
    flat = expressions_encodings.reshape(b * l, d)
    # gather occurrence states (index_select) and symbol encodings per occurrence
    symbols_occurrences = jnp.take(flat, flat_idx, axis=0)
    symbols_enc_for_occ = jnp.take(symbols_encodings, symbol_idx.astype(jnp.int32), axis=0)
    # StateUpdater gate (GRU-style gated update): z = sigmoid([prev;upd] Wz + bz), h = tanh([prev;upd] Wh + bh)
    cat = jnp.concatenate([symbols_occurrences, symbols_enc_for_occ], axis=-1)
    z = jax.nn.sigmoid(cat @ W_z + b_z)
    h = jnp.tanh(cat @ W_h + b_h)
    updated_occurrences = (1.0 - z) * symbols_occurrences + z * h
    # scatter-overwrite updated occurrences back into flattened token encodings
    updated_flat = flat.at[flat_idx].set(updated_occurrences)
    return updated_flat.reshape(b, l, d)

if __name__ == "__main__":
    import jax
    _d = setup_inputs()
    print(jax.jit(kernel)(*tuple(_d.values())))

</pallas_src>

<mosaic_0001>
#map = affine_map<(d0, d1) -> (0, 0)>
#map1 = affine_map<(d0, d1) -> (0)>
module attributes {stable_mosaic.version = 14 : i64} {
  func.func @k(%arg0: i32, %arg1: i32, %arg2: memref<32x65536xi32, #tpu.memory_space<hbm>>, %arg3: memref<8192x256xi32, #tpu.memory_space<hbm>>, %arg4: memref<65536xi32, #tpu.memory_space<hbm>>, %arg5: memref<65536x256xi32, #tpu.memory_space<hbm>>, %arg6: memref<32x2048xi32, #tpu.memory_space<vmem>>, %arg7: memref<2048xi32, #tpu.memory_space<vmem>>, %arg8: memref<2048xi32, #tpu.memory_space<vmem>>, %arg9: memref<64x256xi32, #tpu.memory_space<vmem>>, %arg10: memref<64x256xi32, #tpu.memory_space<vmem>>, %arg11: memref<!tpu.dma_semaphore, #tpu.memory_space<semaphore_mem>>, %arg12: memref<!tpu.dma_semaphore, #tpu.memory_space<semaphore_mem>>, %arg13: memref<!tpu.dma_semaphore, #tpu.memory_space<semaphore_mem>>) attributes {dimension_semantics = [#tpu.dimension_semantics<core_parallel>, #tpu.dimension_semantics<subcore_parallel>], iteration_bounds = array<i64: 2, 16>, scalar_prefetch = 0 : i64, scratch_operands = 8 : i64, tpu.core_type = #tpu.core_type<sc_vector_subcore>, window_params = [{transform_indices = #map}, {transform_indices = #map}, {transform_indices = #map1}, {transform_indices = #map}]} {
    %mul3A = arith.constant 2 : i32
    %mul3A_0 = arith.muli %arg1, %mul3A : i32
    %add3A = arith.addi %mul3A_0, %arg0 : i32
    %mul3A_1 = arith.constant 2048 : i32
    %mul3A_2 = arith.muli %add3A, %mul3A_1 : i32
    "tpu.region"() ({
      %run_scoped3A = tpu.sem_alloc : memref<!tpu.dma_semaphore, #tpu.memory_space<semaphore_mem>>
      %dma_start3A_21 = arith.constant 0 : i32
      %dma_start3A_22 = tpu.memref_slice %arg2[%dma_start3A_21, %mul3A_2] : memref<32x65536xi32, #tpu.memory_space<hbm>> -> memref<32x2048xi32, #tpu.memory_space<hbm>>
      %dma_start3A_23 = arith.constant 0 : i32
      %dma_start3A_24 = tpu.memref_slice %arg2[%dma_start3A_23, %mul3A_2] : memref<32x65536xi32, #tpu.memory_space<hbm>> -> memref<32x2048xi32, #tpu.memory_space<hbm>>
      tpu.enqueue_dma source(%dma_start3A_24 : memref<32x2048xi32, #tpu.memory_space<hbm>>) target(%arg6 : memref<32x2048xi32, #tpu.memory_space<vmem>>) target_semaphore(%run_scoped3A : memref<!tpu.dma_semaphore, #tpu.memory_space<semaphore_mem>>)
      %dma_wait3A_25 = arith.constant 0 : i32
      %dma_wait3A_26 = tpu.memref_slice %arg2[%dma_wait3A_25, %mul3A_2] : memref<32x65536xi32, #tpu.memory_space<hbm>> -> memref<32x2048xi32, #tpu.memory_space<hbm>>
      %dma_wait3A_27 = arith.constant 0 : i32
      %dma_wait3A_28 = tpu.memref_slice %arg2[%dma_wait3A_27, %mul3A_2] : memref<32x65536xi32, #tpu.memory_space<hbm>> -> memref<32x2048xi32, #tpu.memory_space<hbm>>
      tpu.wait_dma2 semaphore(%run_scoped3A : memref<!tpu.dma_semaphore, #tpu.memory_space<semaphore_mem>>) src(%dma_wait3A_28 : memref<32x2048xi32, #tpu.memory_space<hbm>>) dst(%arg6 : memref<32x2048xi32, #tpu.memory_space<vmem>>)
      tpu.yield
    }) : () -> ()
    %scan3A = arith.constant 0 : i32
    %scan3A_3 = arith.constant 0 : i32
    %scan3A_4 = arith.constant 128 : i32
    %scan3A_5 = arith.addi %scan3A_3, %scan3A_4 : i32
    %scan3A_6 = arith.constant 1 : i32
    scf.for %scan3A_21 = %scan3A_3 to %scan3A_5 step %scan3A_6  : i32 {
      %broadcast_in_dim3A = arith.constant -1 : i32
      %broadcast_in_dim3A_22 = vector.broadcast %broadcast_in_dim3A : i32 to vector<16xi32>
      %mul3A_23 = arith.constant 16 : i32
      %mul3A_24 = arith.muli %scan3A_21, %mul3A_23 : i32
      %get3A = arith.constant 0 : i32
      %get3A_25 = arith.index_cast %get3A : i32 to index
      %get3A_26 = arith.index_cast %mul3A_24 : i32 to index
      %get3A_27 = tpu.vector_load %arg6[%get3A_25, %get3A_26] {strides = array<i32>} : memref<32x2048xi32, #tpu.memory_space<vmem>>, vector<1x16xi32>,
      %get3A_28 = vector.shape_cast %get3A_27 : vector<1x16xi32> to vector<16xi32>
      %ge3A = arith.constant 0 : i32
      %ge3A_29 = vector.broadcast %ge3A : i32 to vector<16xi32>
      %ge3A_30 = arith.cmpi sge, %get3A_28, %ge3A_29 : vector<16xi32>
      %select_n3A = arith.select %ge3A_30, %get3A_28, %broadcast_in_dim3A_22 : vector<16xi1>, vector<16xi32>
      %mul3A_31 = arith.constant 16 : i32
      %mul3A_32 = arith.muli %scan3A_21, %mul3A_31 : i32
      %get3A_33 = arith.constant 1 : i32
      %get3A_34 = arith.index_cast %get3A_33 : i32 to index
      %get3A_35 = arith.index_cast %mul3A_32 : i32 to index
      %get3A_36 = tpu.vector_load %arg6[%get3A_34, %get3A_35] {strides = array<i32>} : memref<32x2048xi32, #tpu.memory_space<vmem>>, vector<1x16xi32>,
      %get3A_37 = vector.shape_cast %get3A_36 : vector<1x16xi32> to vector<16xi32>
      %ge3A_38 = arith.constant 0 : i32
      %ge3A_39 = vector.broadcast %ge3A_38 : i32 to vector<16xi32>
      %ge3A_40 = arith.cmpi sge, %get3A_37, %ge3A_39 : vector<16xi32>
      %select_n3A_41 = arith.select %ge3A_40, %get3A_37, %select_n3A : vector<16xi1>, vector<16xi32>
      %mul3A_42 = arith.constant 16 : i32
      %mul3A_43 = arith.muli %scan3A_21, %mul3A_42 : i32
      %get3A_44 = arith.constant 2 : i32
      %get3A_45 = arith.index_cast %get3A_44 : i32 to index
      %get3A_46 = arith.index_cast %mul3A_43 : i32 to index
      %get3A_47 = tpu.vector_load %arg6[%get3A_45, %get3A_46] {strides = array<i32>} : memref<32x2048xi32, #tpu.memory_space<vmem>>, vector<1x16xi32>,
      %get3A_48 = vector.shape_cast %get3A_47 : vector<1x16xi32> to vector<16xi32>
      %ge3A_49 = arith.constant 0 : i32
      %ge3A_50 = vector.broadcast %ge3A_49 : i32 to vector<16xi32>
      %ge3A_51 = arith.cmpi sge, %get3A_48, %ge3A_50 : vector<16xi32>
      %select_n3A_52 = arith.select %ge3A_51, %get3A_48, %select_n3A_41 : vector<16xi1>, vector<16xi32>
      %mul3A_53 = arith.constant 16 : i32
      %mul3A_54 = arith.muli %scan3A_21, %mul3A_53 : i32
      %get3A_55 = arith.constant 3 : i32
      %get3A_56 = arith.index_cast %get3A_55 : i32 to index
      %get3A_57 = arith.index_cast %mul3A_54 : i32 to index
      %get3A_58 = tpu.vector_load %arg6[%get3A_56, %get3A_57] {strides = array<i32>} : memref<32x2048xi32, #tpu.memory_space<vmem>>, vector<1x16xi32>,
      %get3A_59 = vector.shape_cast %get3A_58 : vector<1x16xi32> to vector<16xi32>
      %ge3A_60 = arith.constant 0 : i32
      %ge3A_61 = vector.broadcast %ge3A_60 : i32 to vector<16xi32>
      %ge3A_62 = arith.cmpi sge, %get3A_59, %ge3A_61 : vector<16xi32>
      %select_n3A_63 = arith.select %ge3A_62, %get3A_59, %select_n3A_52 : vector<16xi1>, vector<16xi32>
      %mul3A_64 = arith.constant 16 : i32
      %mul3A_65 = arith.muli %scan3A_21, %mul3A_64 : i32
      %get3A_66 = arith.constant 4 : i32
      %get3A_67 = arith.index_cast %get3A_66 : i32 to index
      %get3A_68 = arith.index_cast %mul3A_65 : i32 to index
      %get3A_69 = tpu.vector_load %arg6[%get3A_67, %get3A_68] {strides = array<i32>} : memref<32x2048xi32, #tpu.memory_space<vmem>>, vector<1x16xi32>,
      %get3A_70 = vector.shape_cast %get3A_69 : vector<1x16xi32> to vector<16xi32>
      %ge3A_71 = arith.constant 0 : i32
      %ge3A_72 = vector.broadcast %ge3A_71 : i32 to vector<16xi32>
      %ge3A_73 = arith.cmpi sge, %get3A_70, %ge3A_72 : vector<16xi32>
      %select_n3A_74 = arith.select %ge3A_73, %get3A_70, %select_n3A_63 : vector<16xi1>, vector<16xi32>
      %mul3A_75 = arith.constant 16 : i32
      %mul3A_76 = arith.muli %scan3A_21, %mul3A_75 : i32
      %get3A_77 = arith.constant 5 : i32
      %get3A_78 = arith.index_cast %get3A_77 : i32 to index
      %get3A_79 = arith.index_cast %mul3A_76 : i32 to index
      %get3A_80 = tpu.vector_load %arg6[%get3A_78, %get3A_79] {strides = array<i32>} : memref<32x2048xi32, #tpu.memory_space<vmem>>, vector<1x16xi32>,
      %get3A_81 = vector.shape_cast %get3A_80 : vector<1x16xi32> to vector<16xi32>
      %ge3A_82 = arith.constant 0 : i32
      %ge3A_83 = vector.broadcast %ge3A_82 : i32 to vector<16xi32>
      %ge3A_84 = arith.cmpi sge, %get3A_81, %ge3A_83 : vector<16xi32>
      %select_n3A_85 = arith.select %ge3A_84, %get3A_81, %select_n3A_74 : vector<16xi1>, vector<16xi32>
      %mul3A_86 = arith.constant 16 : i32
      %mul3A_87 = arith.muli %scan3A_21, %mul3A_86 : i32
      %get3A_88 = arith.constant 6 : i32
      %get3A_89 = arith.index_cast %get3A_88 : i32 to index
      %get3A_90 = arith.index_cast %mul3A_87 : i32 to index
      %get3A_91 = tpu.vector_load %arg6[%get3A_89, %get3A_90] {strides = array<i32>} : memref<32x2048xi32, #tpu.memory_space<vmem>>, vector<1x16xi32>,
      %get3A_92 = vector.shape_cast %get3A_91 : vector<1x16xi32> to vector<16xi32>
      %ge3A_93 = arith.constant 0 : i32
      %ge3A_94 = vector.broadcast %ge3A_93 : i32 to vector<16xi32>
      %ge3A_95 = arith.cmpi sge, %get3A_92, %ge3A_94 : vector<16xi32>
      %select_n3A_96 = arith.select %ge3A_95, %get3A_92, %select_n3A_85 : vector<16xi1>, vector<16xi32>
      %mul3A_97 = arith.constant 16 : i32
      %mul3A_98 = arith.muli %scan3A_21, %mul3A_97 : i32
      %get3A_99 = arith.constant 7 : i32
      %get3A_100 = arith.index_cast %get3A_99 : i32 to index
      %get3A_101 = arith.index_cast %mul3A_98 : i32 to index
      %get3A_102 = tpu.vector_load %arg6[%get3A_100, %get3A_101] {strides = array<i32>} : memref<32x2048xi32, #tpu.memory_space<vmem>>, vector<1x16xi32>,
      %get3A_103 = vector.shape_cast %get3A_102 : vector<1x16xi32> to vector<16xi32>
      %ge3A_104 = arith.constant 0 : i32
      %ge3A_105 = vector.broadcast %ge3A_104 : i32 to vector<16xi32>
      %ge3A_106 = arith.cmpi sge, %get3A_103, %ge3A_105 : vector<16xi32>
      %select_n3A_107 = arith.select %ge3A_106, %get3A_103, %select_n3A_96 : vector<16xi1>, vector<16xi32>
      %mul3A_108 = arith.constant 16 : i32
      %mul3A_109 = arith.muli %scan3A_21, %mul3A_108 : i32
      %get3A_110 = arith.constant 8 : i32
      %get3A_111 = arith.index_cast %get3A_110 : i32 to index
      %get3A_112 = arith.index_cast %mul3A_109 : i32 to index
      %get3A_113 = tpu.vector_load %arg6[%get3A_111, %get3A_112] {strides = array<i32>} : memref<32x2048xi32, #tpu.memory_space<vmem>>, vector<1x16xi32>,
      %get3A_114 = vector.shape_cast %get3A_113 : vector<1x16xi32> to vector<16xi32>
      %ge3A_115 = arith.constant 0 : i32
      %ge3A_116 = vector.broadcast %ge3A_115 : i32 to vector<16xi32>
      %ge3A_117 = arith.cmpi sge, %get3A_114, %ge3A_116 : vector<16xi32>
      %select_n3A_118 = arith.select %ge3A_117, %get3A_114, %select_n3A_107 : vector<16xi1>, vector<16xi32>
      %mul3A_119 = arith.constant 16 : i32
      %mul3A_120 = arith.muli %scan3A_21, %mul3A_119 : i32
      %get3A_121 = arith.constant 9 : i32
      %get3A_122 = arith.index_cast %get3A_121 : i32 to index
      %get3A_123 = arith.index_cast %mul3A_120 : i32 to index
      %get3A_124 = tpu.vector_load %arg6[%get3A_122, %get3A_123] {strides = array<i32>} : memref<32x2048xi32, #tpu.memory_space<vmem>>, vector<1x16xi32>,
      %get3A_125 = vector.shape_cast %get3A_124 : vector<1x16xi32> to vector<16xi32>
      %ge3A_126 = arith.constant 0 : i32
      %ge3A_127 = vector.broadcast %ge3A_126 : i32 to vector<16xi32>
      %ge3A_128 = arith.cmpi sge, %get3A_125, %ge3A_127 : vector<16xi32>
      %select_n3A_129 = arith.select %ge3A_128, %get3A_125, %select_n3A_118 : vector<16xi1>, vector<16xi32>
      %mul3A_130 = arith.constant 16 : i32
      %mul3A_131 = arith.muli %scan3A_21, %mul3A_130 : i32
      %get3A_132 = arith.constant 10 : i32
      %get3A_133 = arith.index_cast %get3A_132 : i32 to index
      %get3A_134 = arith.index_cast %mul3A_131 : i32 to index
      %get3A_135 = tpu.vector_load %arg6[%get3A_133, %get3A_134] {strides = array<i32>} : memref<32x2048xi32, #tpu.memory_space<vmem>>, vector<1x16xi32>,
      %get3A_136 = vector.shape_cast %get3A_135 : vector<1x16xi32> to vector<16xi32>
      %ge3A_137 = arith.constant 0 : i32
      %ge3A_138 = vector.broadcast %ge3A_137 : i32 to vector<16xi32>
      %ge3A_139 = arith.cmpi sge, %get3A_136, %ge3A_138 : vector<16xi32>
      %select_n3A_140 = arith.select %ge3A_139, %get3A_136, %select_n3A_129 : vector<16xi1>, vector<16xi32>
      %mul3A_141 = arith.constant 16 : i32
      %mul3A_142 = arith.muli %scan3A_21, %mul3A_141 : i32
      %get3A_143 = arith.constant 11 : i32
      %get3A_144 = arith.index_cast %get3A_143 : i32 to index
      %get3A_145 = arith.index_cast %mul3A_142 : i32 to index
      %get3A_146 = tpu.vector_load %arg6[%get3A_144, %get3A_145] {strides = array<i32>} : memref<32x2048xi32, #tpu.memory_space<vmem>>, vector<1x16xi32>,
      %get3A_147 = vector.shape_cast %get3A_146 : vector<1x16xi32> to vector<16xi32>
      %ge3A_148 = arith.constant 0 : i32
      %ge3A_149 = vector.broadcast %ge3A_148 : i32 to vector<16xi32>
      %ge3A_150 = arith.cmpi sge, %get3A_147, %ge3A_149 : vector<16xi32>
      %select_n3A_151 = arith.select %ge3A_150, %get3A_147, %select_n3A_140 : vector<16xi1>, vector<16xi32>
      %mul3A_152 = arith.constant 16 : i32
      %mul3A_153 = arith.muli %scan3A_21, %mul3A_152 : i32
      %get3A_154 = arith.constant 12 : i32
      %get3A_155 = arith.index_cast %get3A_154 : i32 to index
      %get3A_156 = arith.index_cast %mul3A_153 : i32 to index
      %get3A_157 = tpu.vector_load %arg6[%get3A_155, %get3A_156] {strides = array<i32>} : memref<32x2048xi32, #tpu.memory_space<vmem>>, vector<1x16xi32>,
      %get3A_158 = vector.shape_cast %get3A_157 : vector<1x16xi32> to vector<16xi32>
      %ge3A_159 = arith.constant 0 : i32
      %ge3A_160 = vector.broadcast %ge3A_159 : i32 to vector<16xi32>
      %ge3A_161 = arith.cmpi sge, %get3A_158, %ge3A_160 : vector<16xi32>
      %select_n3A_162 = arith.select %ge3A_161, %get3A_158, %select_n3A_151 : vector<16xi1>, vector<16xi32>
      %mul3A_163 = arith.constant 16 : i32
      %mul3A_164 = arith.muli %scan3A_21, %mul3A_163 : i32
      %get3A_165 = arith.constant 13 : i32
      %get3A_166 = arith.index_cast %get3A_165 : i32 to index
      %get3A_167 = arith.index_cast %mul3A_164 : i32 to index
      %get3A_168 = tpu.vector_load %arg6[%get3A_166, %get3A_167] {strides = array<i32>} : memref<32x2048xi32, #tpu.memory_space<vmem>>, vector<1x16xi32>,
      %get3A_169 = vector.shape_cast %get3A_168 : vector<1x16xi32> to vector<16xi32>
      %ge3A_170 = arith.constant 0 : i32
      %ge3A_171 = vector.broadcast %ge3A_170 : i32 to vector<16xi32>
      %ge3A_172 = arith.cmpi sge, %get3A_169, %ge3A_171 : vector<16xi32>
      %select_n3A_173 = arith.select %ge3A_172, %get3A_169, %select_n3A_162 : vector<16xi1>, vector<16xi32>
      %mul3A_174 = arith.constant 16 : i32
      %mul3A_175 = arith.muli %scan3A_21, %mul3A_174 : i32
      %get3A_176 = arith.constant 14 : i32
      %get3A_177 = arith.index_cast %get3A_176 : i32 to index
      %get3A_178 = arith.index_cast %mul3A_175 : i32 to index
      %get3A_179 = tpu.vector_load %arg6[%get3A_177, %get3A_178] {strides = array<i32>} : memref<32x2048xi32, #tpu.memory_space<vmem>>, vector<1x16xi32>,
      %get3A_180 = vector.shape_cast %get3A_179 : vector<1x16xi32> to vector<16xi32>
      %ge3A_181 = arith.constant 0 : i32
      %ge3A_182 = vector.broadcast %ge3A_181 : i32 to vector<16xi32>
      %ge3A_183 = arith.cmpi sge, %get3A_180, %ge3A_182 : vector<16xi32>
      %select_n3A_184 = arith.select %ge3A_183, %get3A_180, %select_n3A_173 : vector<16xi1>, vector<16xi32>
      %mul3A_185 = arith.constant 16 : i32
      %mul3A_186 = arith.muli %scan3A_21, %mul3A_185 : i32
      %get3A_187 = arith.constant 15 : i32
      %get3A_188 = arith.index_cast %get3A_187 : i32 to index
      %get3A_189 = arith.index_cast %mul3A_186 : i32 to index
      %get3A_190 = tpu.vector_load %arg6[%get3A_188, %get3A_189] {strides = array<i32>} : memref<32x2048xi32, #tpu.memory_space<vmem>>, vector<1x16xi32>,
      %get3A_191 = vector.shape_cast %get3A_190 : vector<1x16xi32> to vector<16xi32>
      %ge3A_192 = arith.constant 0 : i32
      %ge3A_193 = vector.broadcast %ge3A_192 : i32 to vector<16xi32>
      %ge3A_194 = arith.cmpi sge, %get3A_191, %ge3A_193 : vector<16xi32>
      %select_n3A_195 = arith.select %ge3A_194, %get3A_191, %select_n3A_184 : vector<16xi1>, vector<16xi32>
      %mul3A_196 = arith.constant 16 : i32
      %mul3A_197 = arith.muli %scan3A_21, %mul3A_196 : i32
      %get3A_198 = arith.constant 16 : i32
      %get3A_199 = arith.index_cast %get3A_198 : i32 to index
      %get3A_200 = arith.index_cast %mul3A_197 : i32 to index
      %get3A_201 = tpu.vector_load %arg6[%get3A_199, %get3A_200] {strides = array<i32>} : memref<32x2048xi32, #tpu.memory_space<vmem>>, vector<1x16xi32>,
      %get3A_202 = vector.shape_cast %get3A_201 : vector<1x16xi32> to vector<16xi32>
      %ge3A_203 = arith.constant 0 : i32
      %ge3A_204 = vector.broadcast %ge3A_203 : i32 to vector<16xi32>
      %ge3A_205 = arith.cmpi sge, %get3A_202, %ge3A_204 : vector<16xi32>
      %select_n3A_206 = arith.select %ge3A_205, %get3A_202, %select_n3A_195 : vector<16xi1>, vector<16xi32>
      %mul3A_207 = arith.constant 16 : i32
      %mul3A_208 = arith.muli %scan3A_21, %mul3A_207 : i32
      %get3A_209 = arith.constant 17 : i32
      %get3A_210 = arith.index_cast %get3A_209 : i32 to index
      %get3A_211 = arith.index_cast %mul3A_208 : i32 to index
      %get3A_212 = tpu.vector_load %arg6[%get3A_210, %get3A_211] {strides = array<i32>} : memref<32x2048xi32, #tpu.memory_space<vmem>>, vector<1x16xi32>,
      %get3A_213 = vector.shape_cast %get3A_212 : vector<1x16xi32> to vector<16xi32>
      %ge3A_214 = arith.constant 0 : i32
      %ge3A_215 = vector.broadcast %ge3A_214 : i32 to vector<16xi32>
      %ge3A_216 = arith.cmpi sge, %get3A_213, %ge3A_215 : vector<16xi32>
      %select_n3A_217 = arith.select %ge3A_216, %get3A_213, %select_n3A_206 : vector<16xi1>, vector<16xi32>
      %mul3A_218 = arith.constant 16 : i32
      %mul3A_219 = arith.muli %scan3A_21, %mul3A_218 : i32
      %get3A_220 = arith.constant 18 : i32
      %get3A_221 = arith.index_cast %get3A_220 : i32 to index
      %get3A_222 = arith.index_cast %mul3A_219 : i32 to index
      %get3A_223 = tpu.vector_load %arg6[%get3A_221, %get3A_222] {strides = array<i32>} : memref<32x2048xi32, #tpu.memory_space<vmem>>, vector<1x16xi32>,
      %get3A_224 = vector.shape_cast %get3A_223 : vector<1x16xi32> to vector<16xi32>
      %ge3A_225 = arith.constant 0 : i32
      %ge3A_226 = vector.broadcast %ge3A_225 : i32 to vector<16xi32>
      %ge3A_227 = arith.cmpi sge, %get3A_224, %ge3A_226 : vector<16xi32>
      %select_n3A_228 = arith.select %ge3A_227, %get3A_224, %select_n3A_217 : vector<16xi1>, vector<16xi32>
      %mul3A_229 = arith.constant 16 : i32
      %mul3A_230 = arith.muli %scan3A_21, %mul3A_229 : i32
      %get3A_231 = arith.constant 19 : i32
      %get3A_232 = arith.index_cast %get3A_231 : i32 to index
      %get3A_233 = arith.index_cast %mul3A_230 : i32 to index
      %get3A_234 = tpu.vector_load %arg6[%get3A_232, %get3A_233] {strides = array<i32>} : memref<32x2048xi32, #tpu.memory_space<vmem>>, vector<1x16xi32>,
      %get3A_235 = vector.shape_cast %get3A_234 : vector<1x16xi32> to vector<16xi32>
      %ge3A_236 = arith.constant 0 : i32
      %ge3A_237 = vector.broadcast %ge3A_236 : i32 to vector<16xi32>
      %ge3A_238 = arith.cmpi sge, %get3A_235, %ge3A_237 : vector<16xi32>
      %select_n3A_239 = arith.select %ge3A_238, %get3A_235, %select_n3A_228 : vector<16xi1>, vector<16xi32>
      %mul3A_240 = arith.constant 16 : i32
      %mul3A_241 = arith.muli %scan3A_21, %mul3A_240 : i32
      %get3A_242 = arith.constant 20 : i32
      %get3A_243 = arith.index_cast %get3A_242 : i32 to index
      %get3A_244 = arith.index_cast %mul3A_241 : i32 to index
      %get3A_245 = tpu.vector_load %arg6[%get3A_243, %get3A_244] {strides = array<i32>} : memref<32x2048xi32, #tpu.memory_space<vmem>>, vector<1x16xi32>,
      %get3A_246 = vector.shape_cast %get3A_245 : vector<1x16xi32> to vector<16xi32>
      %ge3A_247 = arith.constant 0 : i32
      %ge3A_248 = vector.broadcast %ge3A_247 : i32 to vector<16xi32>
      %ge3A_249 = arith.cmpi sge, %get3A_246, %ge3A_248 : vector<16xi32>
      %select_n3A_250 = arith.select %ge3A_249, %get3A_246, %select_n3A_239 : vector<16xi1>, vector<16xi32>
      %mul3A_251 = arith.constant 16 : i32
      %mul3A_252 = arith.muli %scan3A_21, %mul3A_251 : i32
      %get3A_253 = arith.constant 21 : i32
      %get3A_254 = arith.index_cast %get3A_253 : i32 to index
      %get3A_255 = arith.index_cast %mul3A_252 : i32 to index
      %get3A_256 = tpu.vector_load %arg6[%get3A_254, %get3A_255] {strides = array<i32>} : memref<32x2048xi32, #tpu.memory_space<vmem>>, vector<1x16xi32>,
      %get3A_257 = vector.shape_cast %get3A_256 : vector<1x16xi32> to vector<16xi32>
      %ge3A_258 = arith.constant 0 : i32
      %ge3A_259 = vector.broadcast %ge3A_258 : i32 to vector<16xi32>
      %ge3A_260 = arith.cmpi sge, %get3A_257, %ge3A_259 : vector<16xi32>
      %select_n3A_261 = arith.select %ge3A_260, %get3A_257, %select_n3A_250 : vector<16xi1>, vector<16xi32>
      %mul3A_262 = arith.constant 16 : i32
      %mul3A_263 = arith.muli %scan3A_21, %mul3A_262 : i32
      %get3A_264 = arith.constant 22 : i32
      %get3A_265 = arith.index_cast %get3A_264 : i32 to index
      %get3A_266 = arith.index_cast %mul3A_263 : i32 to index
      %get3A_267 = tpu.vector_load %arg6[%get3A_265, %get3A_266] {strides = array<i32>} : memref<32x2048xi32, #tpu.memory_space<vmem>>, vector<1x16xi32>,
      %get3A_268 = vector.shape_cast %get3A_267 : vector<1x16xi32> to vector<16xi32>
      %ge3A_269 = arith.constant 0 : i32
      %ge3A_270 = vector.broadcast %ge3A_269 : i32 to vector<16xi32>
      %ge3A_271 = arith.cmpi sge, %get3A_268, %ge3A_270 : vector<16xi32>
      %select_n3A_272 = arith.select %ge3A_271, %get3A_268, %select_n3A_261 : vector<16xi1>, vector<16xi32>
      %mul3A_273 = arith.constant 16 : i32
      %mul3A_274 = arith.muli %scan3A_21, %mul3A_273 : i32
      %get3A_275 = arith.constant 23 : i32
      %get3A_276 = arith.index_cast %get3A_275 : i32 to index
      %get3A_277 = arith.index_cast %mul3A_274 : i32 to index
      %get3A_278 = tpu.vector_load %arg6[%get3A_276, %get3A_277] {strides = array<i32>} : memref<32x2048xi32, #tpu.memory_space<vmem>>, vector<1x16xi32>,
      %get3A_279 = vector.shape_cast %get3A_278 : vector<1x16xi32> to vector<16xi32>
      %ge3A_280 = arith.constant 0 : i32
      %ge3A_281 = vector.broadcast %ge3A_280 : i32 to vector<16xi32>
      %ge3A_282 = arith.cmpi sge, %get3A_279, %ge3A_281 : vector<16xi32>
      %select_n3A_283 = arith.select %ge3A_282, %get3A_279, %select_n3A_272 : vector<16xi1>, vector<16xi32>
      %mul3A_284 = arith.constant 16 : i32
      %mul3A_285 = arith.muli %scan3A_21, %mul3A_284 : i32
      %get3A_286 = arith.constant 24 : i32
      %get3A_287 = arith.index_cast %get3A_286 : i32 to index
      %get3A_288 = arith.index_cast %mul3A_285 : i32 to index
      %get3A_289 = tpu.vector_load %arg6[%get3A_287, %get3A_288] {strides = array<i32>} : memref<32x2048xi32, #tpu.memory_space<vmem>>, vector<1x16xi32>,
      %get3A_290 = vector.shape_cast %get3A_289 : vector<1x16xi32> to vector<16xi32>
      %ge3A_291 = arith.constant 0 : i32
      %ge3A_292 = vector.broadcast %ge3A_291 : i32 to vector<16xi32>
      %ge3A_293 = arith.cmpi sge, %get3A_290, %ge3A_292 : vector<16xi32>
      %select_n3A_294 = arith.select %ge3A_293, %get3A_290, %select_n3A_283 : vector<16xi1>, vector<16xi32>
      %mul3A_295 = arith.constant 16 : i32
      %mul3A_296 = arith.muli %scan3A_21, %mul3A_295 : i32
      %get3A_297 = arith.constant 25 : i32
      %get3A_298 = arith.index_cast %get3A_297 : i32 to index
      %get3A_299 = arith.index_cast %mul3A_296 : i32 to index
      %get3A_300 = tpu.vector_load %arg6[%get3A_298, %get3A_299] {strides = array<i32>} : memref<32x2048xi32, #tpu.memory_space<vmem>>, vector<1x16xi32>,
      %get3A_301 = vector.shape_cast %get3A_300 : vector<1x16xi32> to vector<16xi32>
      %ge3A_302 = arith.constant 0 : i32
      %ge3A_303 = vector.broadcast %ge3A_302 : i32 to vector<16xi32>
      %ge3A_304 = arith.cmpi sge, %get3A_301, %ge3A_303 : vector<16xi32>
      %select_n3A_305 = arith.select %ge3A_304, %get3A_301, %select_n3A_294 : vector<16xi1>, vector<16xi32>
      %mul3A_306 = arith.constant 16 : i32
      %mul3A_307 = arith.muli %scan3A_21, %mul3A_306 : i32
      %get3A_308 = arith.constant 26 : i32
      %get3A_309 = arith.index_cast %get3A_308 : i32 to index
      %get3A_310 = arith.index_cast %mul3A_307 : i32 to index
      %get3A_311 = tpu.vector_load %arg6[%get3A_309, %get3A_310] {strides = array<i32>} : memref<32x2048xi32, #tpu.memory_space<vmem>>, vector<1x16xi32>,
      %get3A_312 = vector.shape_cast %get3A_311 : vector<1x16xi32> to vector<16xi32>
      %ge3A_313 = arith.constant 0 : i32
      %ge3A_314 = vector.broadcast %ge3A_313 : i32 to vector<16xi32>
      %ge3A_315 = arith.cmpi sge, %get3A_312, %ge3A_314 : vector<16xi32>
      %select_n3A_316 = arith.select %ge3A_315, %get3A_312, %select_n3A_305 : vector<16xi1>, vector<16xi32>
      %mul3A_317 = arith.constant 16 : i32
      %mul3A_318 = arith.muli %scan3A_21, %mul3A_317 : i32
      %get3A_319 = arith.constant 27 : i32
      %get3A_320 = arith.index_cast %get3A_319 : i32 to index
      %get3A_321 = arith.index_cast %mul3A_318 : i32 to index
      %get3A_322 = tpu.vector_load %arg6[%get3A_320, %get3A_321] {strides = array<i32>} : memref<32x2048xi32, #tpu.memory_space<vmem>>, vector<1x16xi32>,
      %get3A_323 = vector.shape_cast %get3A_322 : vector<1x16xi32> to vector<16xi32>
      %ge3A_324 = arith.constant 0 : i32
      %ge3A_325 = vector.broadcast %ge3A_324 : i32 to vector<16xi32>
      %ge3A_326 = arith.cmpi sge, %get3A_323, %ge3A_325 : vector<16xi32>
      %select_n3A_327 = arith.select %ge3A_326, %get3A_323, %select_n3A_316 : vector<16xi1>, vector<16xi32>
      %mul3A_328 = arith.constant 16 : i32
      %mul3A_329 = arith.muli %scan3A_21, %mul3A_328 : i32
      %get3A_330 = arith.constant 28 : i32
      %get3A_331 = arith.index_cast %get3A_330 : i32 to index
      %get3A_332 = arith.index_cast %mul3A_329 : i32 to index
      %get3A_333 = tpu.vector_load %arg6[%get3A_331, %get3A_332] {strides = array<i32>} : memref<32x2048xi32, #tpu.memory_space<vmem>>, vector<1x16xi32>,
      %get3A_334 = vector.shape_cast %get3A_333 : vector<1x16xi32> to vector<16xi32>
      %ge3A_335 = arith.constant 0 : i32
      %ge3A_336 = vector.broadcast %ge3A_335 : i32 to vector<16xi32>
      %ge3A_337 = arith.cmpi sge, %get3A_334, %ge3A_336 : vector<16xi32>
      %select_n3A_338 = arith.select %ge3A_337, %get3A_334, %select_n3A_327 : vector<16xi1>, vector<16xi32>
      %mul3A_339 = arith.constant 16 : i32
      %mul3A_340 = arith.muli %scan3A_21, %mul3A_339 : i32
      %get3A_341 = arith.constant 29 : i32
      %get3A_342 = arith.index_cast %get3A_341 : i32 to index
      %get3A_343 = arith.index_cast %mul3A_340 : i32 to index
      %get3A_344 = tpu.vector_load %arg6[%get3A_342, %get3A_343] {strides = array<i32>} : memref<32x2048xi32, #tpu.memory_space<vmem>>, vector<1x16xi32>,
      %get3A_345 = vector.shape_cast %get3A_344 : vector<1x16xi32> to vector<16xi32>
      %ge3A_346 = arith.constant 0 : i32
      %ge3A_347 = vector.broadcast %ge3A_346 : i32 to vector<16xi32>
      %ge3A_348 = arith.cmpi sge, %get3A_345, %ge3A_347 : vector<16xi32>
      %select_n3A_349 = arith.select %ge3A_348, %get3A_345, %select_n3A_338 : vector<16xi1>, vector<16xi32>
      %mul3A_350 = arith.constant 16 : i32
      %mul3A_351 = arith.muli %scan3A_21, %mul3A_350 : i32
      %get3A_352 = arith.constant 30 : i32
      %get3A_353 = arith.index_cast %get3A_352 : i32 to index
      %get3A_354 = arith.index_cast %mul3A_351 : i32 to index
      %get3A_355 = tpu.vector_load %arg6[%get3A_353, %get3A_354] {strides = array<i32>} : memref<32x2048xi32, #tpu.memory_space<vmem>>, vector<1x16xi32>,
      %get3A_356 = vector.shape_cast %get3A_355 : vector<1x16xi32> to vector<16xi32>
      %ge3A_357 = arith.constant 0 : i32
      %ge3A_358 = vector.broadcast %ge3A_357 : i32 to vector<16xi32>
      %ge3A_359 = arith.cmpi sge, %get3A_356, %ge3A_358 : vector<16xi32>
      %select_n3A_360 = arith.select %ge3A_359, %get3A_356, %select_n3A_349 : vector<16xi1>, vector<16xi32>
      %mul3A_361 = arith.constant 16 : i32
      %mul3A_362 = arith.muli %scan3A_21, %mul3A_361 : i32
      %get3A_363 = arith.constant 31 : i32
      %get3A_364 = arith.index_cast %get3A_363 : i32 to index
      %get3A_365 = arith.index_cast %mul3A_362 : i32 to index
      %get3A_366 = tpu.vector_load %arg6[%get3A_364, %get3A_365] {strides = array<i32>} : memref<32x2048xi32, #tpu.memory_space<vmem>>, vector<1x16xi32>,
      %get3A_367 = vector.shape_cast %get3A_366 : vector<1x16xi32> to vector<16xi32>
      %ge3A_368 = arith.constant 0 : i32
      %ge3A_369 = vector.broadcast %ge3A_368 : i32 to vector<16xi32>
      %ge3A_370 = arith.cmpi sge, %get3A_367, %ge3A_369 : vector<16xi32>
      %select_n3A_371 = arith.select %ge3A_370, %get3A_367, %select_n3A_360 : vector<16xi1>, vector<16xi32>
      %mul3A_372 = arith.constant 16 : i32
      %mul3A_373 = arith.muli %scan3A_21, %mul3A_372 : i32
      %swap3A = arith.index_cast %mul3A_373 : i32 to index
      %swap3A_374 = tpu.vector_load %arg7[%swap3A] {strides = array<i32>} : memref<2048xi32, #tpu.memory_space<vmem>>, vector<16xi32>,
      %swap3A_375 = vector.shape_cast %swap3A_374 : vector<16xi32> to vector<16xi32>
      %swap3A_376 = vector.shape_cast %select_n3A_371 : vector<16xi32> to vector<16xi32>
      tpu.vector_store %arg7[%swap3A], %swap3A_376 {strides = array<i32>} : memref<2048xi32, #tpu.memory_space<vmem>>, vector<16xi32>,
      %max3A = arith.constant 0 : i32
      %max3A_377 = vector.broadcast %max3A : i32 to vector<16xi32>
      %max3A_378 = arith.maxsi %select_n3A_371, %max3A_377 : vector<16xi32>
      %mul3A_379 = arith.constant 16 : i32
      %mul3A_380 = arith.muli %scan3A_21, %mul3A_379 : i32
      %swap3A_381 = arith.index_cast %mul3A_380 : i32 to index
      %swap3A_382 = tpu.vector_load %arg8[%swap3A_381] {strides = array<i32>} : memref<2048xi32, #tpu.memory_space<vmem>>, vector<16xi32>,
      %swap3A_383 = vector.shape_cast %swap3A_382 : vector<16xi32> to vector<16xi32>
      %swap3A_384 = vector.shape_cast %max3A_378 : vector<16xi32> to vector<16xi32>
      tpu.vector_store %arg8[%swap3A_381], %swap3A_384 {strides = array<i32>} : memref<2048xi32, #tpu.memory_space<vmem>>, vector<16xi32>,
    }
    %scan3A_7 = arith.constant 128 : i32
    "tpu.region"() ({
      %run_scoped3A = tpu.sem_alloc : memref<!tpu.dma_semaphore, #tpu.memory_space<semaphore_mem>>
      %dma_start3A_21 = tpu.memref_slice %arg4[%mul3A_2] : memref<65536xi32, #tpu.memory_space<hbm>> -> memref<2048xi32, #tpu.memory_space<hbm>>
      %dma_start3A_22 = tpu.memref_slice %arg4[%mul3A_2] : memref<65536xi32, #tpu.memory_space<hbm>> -> memref<2048xi32, #tpu.memory_space<hbm>>
      tpu.enqueue_dma source(%arg7 : memref<2048xi32, #tpu.memory_space<vmem>>) target(%dma_start3A_22 : memref<2048xi32, #tpu.memory_space<hbm>>) target_semaphore(%run_scoped3A : memref<!tpu.dma_semaphore, #tpu.memory_space<semaphore_mem>>)
      %dma_wait3A_23 = tpu.memref_slice %arg4[%mul3A_2] : memref<65536xi32, #tpu.memory_space<hbm>> -> memref<2048xi32, #tpu.memory_space<hbm>>
      %dma_wait3A_24 = tpu.memref_slice %arg4[%mul3A_2] : memref<65536xi32, #tpu.memory_space<hbm>> -> memref<2048xi32, #tpu.memory_space<hbm>>
      tpu.wait_dma2 semaphore(%run_scoped3A : memref<!tpu.dma_semaphore, #tpu.memory_space<semaphore_mem>>) src(%arg7 : memref<2048xi32, #tpu.memory_space<vmem>>) dst(%dma_wait3A_24 : memref<2048xi32, #tpu.memory_space<hbm>>)
      tpu.yield
    }) : () -> ()
    %dma_start3A = arith.constant 0 : i32
    %dma_start3A_8 = tpu.memref_slice %arg8[%dma_start3A] : memref<2048xi32, #tpu.memory_space<vmem>> -> memref<64xi32, #tpu.memory_space<vmem>>
    %dma_start3A_9 = arith.constant 0 : i32
    %dma_start3A_10 = arith.constant 0 : i32
    %dma_start3A_11 = tpu.memref_slice %arg3[%dma_start3A_9, %dma_start3A_10] : memref<8192x256xi32, #tpu.memory_space<hbm>> -> memref<8192x256xi32, #tpu.memory_space<hbm>>
    tpu.enqueue_indirect_dma source(%dma_start3A_11 : memref<8192x256xi32, #tpu.memory_space<hbm>>) target(%arg9 : memref<64x256xi32, #tpu.memory_space<vmem>>) offsets(%dma_start3A_8 : memref<64xi32, #tpu.memory_space<vmem>>) semaphore(%arg11 : memref<!tpu.dma_semaphore, #tpu.memory_space<semaphore_mem>>)
    %scan3A_12 = arith.constant 0 : i32
    %scan3A_13 = arith.constant 0 : i32
    %scan3A_14 = arith.constant 16 : i32
    %scan3A_15 = arith.addi %scan3A_13, %scan3A_14 : i32
    %scan3A_16 = arith.constant 1 : i32
    scf.for %scan3A_21 = %scan3A_13 to %scan3A_15 step %scan3A_16  : i32 {
      %mul3A_22 = arith.constant 2 : i32
      %mul3A_23 = arith.muli %mul3A_22, %scan3A_21 : i32
      %add3A_24 = arith.constant 0 : i32
      %add3A_25 = arith.addi %mul3A_23, %add3A_24 : i32
      %gt3A = arith.constant 0 : i32
      %gt3A_26 = arith.cmpi sgt, %scan3A_21, %gt3A : i32
      %convert_element_type3A = arith.extui %gt3A_26 : i1 to i32
      %cond3A = arith.constant 0 : i32
      %cond3A_27 = arith.cmpi ne, %convert_element_type3A, %cond3A : i32
      scf.if %cond3A_27 {
        %dma_wait3A_76 = arith.constant 0 : i32
        %dma_wait3A_77 = tpu.memref_slice %arg5[%mul3A_2, %dma_wait3A_76] : memref<65536x256xi32, #tpu.memory_space<hbm>> -> memref<64x256xi32, #tpu.memory_space<hbm>>
        %dma_wait3A_78 = arith.constant 0 : i32
        %dma_wait3A_79 = tpu.memref_slice %arg5[%mul3A_2, %dma_wait3A_78] : memref<65536x256xi32, #tpu.memory_space<hbm>> -> memref<64x256xi32, #tpu.memory_space<hbm>>
        tpu.wait_dma2 semaphore(%arg13 : memref<!tpu.dma_semaphore, #tpu.memory_space<semaphore_mem>>) src(%arg10 : memref<64x256xi32, #tpu.memory_space<vmem>>) dst(%dma_wait3A_79 : memref<64x256xi32, #tpu.memory_space<hbm>>)
      } else {
      }
      %add3A_28 = arith.constant 2 : i32
      %add3A_29 = arith.addi %add3A_25, %add3A_28 : i32
      %sub3A = arith.constant 1 : i32
      %sub3A_30 = arith.subi %add3A_29, %sub3A : i32
      %lt3A = arith.constant 32 : i32
      %lt3A_31 = arith.cmpi slt, %sub3A_30, %lt3A : i32
      %convert_element_type3A_32 = arith.extui %lt3A_31 : i1 to i32
      %cond3A_33 = arith.constant 0 : i32
      %cond3A_34 = arith.cmpi ne, %convert_element_type3A_32, %cond3A_33 : i32
      scf.if %cond3A_34 {
        %add3A_76 = arith.constant 2 : i32
        %add3A_77 = arith.addi %add3A_25, %add3A_76 : i32
        %sub3A_78 = arith.constant 1 : i32
        %sub3A_79 = arith.subi %add3A_77, %sub3A_78 : i32
        %mul3A_80 = arith.constant 64 : i32
        %mul3A_81 = arith.muli %sub3A_79, %mul3A_80 : i32
        %dma_start3A_82 = tpu.memref_slice %arg8[%mul3A_81] : memref<2048xi32, #tpu.memory_space<vmem>> -> memref<64xi32, #tpu.memory_space<vmem>>
        %dma_start3A_83 = arith.constant 0 : i32
        %dma_start3A_84 = arith.constant 0 : i32
        %dma_start3A_85 = tpu.memref_slice %arg3[%dma_start3A_83, %dma_start3A_84] : memref<8192x256xi32, #tpu.memory_space<hbm>> -> memref<8192x256xi32, #tpu.memory_space<hbm>>
        tpu.enqueue_indirect_dma source(%dma_start3A_85 : memref<8192x256xi32, #tpu.memory_space<hbm>>) target(%arg10 : memref<64x256xi32, #tpu.memory_space<vmem>>) offsets(%dma_start3A_82 : memref<64xi32, #tpu.memory_space<vmem>>) semaphore(%arg12 : memref<!tpu.dma_semaphore, #tpu.memory_space<semaphore_mem>>)
      } else {
      }
      %dma_wait3A_35 = arith.constant 0 : i32
      %dma_wait3A_36 = tpu.memref_slice %arg8[%dma_wait3A_35] : memref<2048xi32, #tpu.memory_space<vmem>> -> memref<64xi32, #tpu.memory_space<vmem>>
      %dma_wait3A_37 = arith.constant 0 : i32
      %dma_wait3A_38 = arith.constant 0 : i32
      %dma_wait3A_39 = tpu.memref_slice %arg3[%dma_wait3A_37, %dma_wait3A_38] : memref<8192x256xi32, #tpu.memory_space<hbm>> -> memref<8192x256xi32, #tpu.memory_space<hbm>>
      tpu.wait_indirect_dma semaphore(%arg11 : memref<!tpu.dma_semaphore, #tpu.memory_space<semaphore_mem>>) src(%dma_wait3A_39 : memref<8192x256xi32, #tpu.memory_space<hbm>>) dst(%arg9 : memref<64x256xi32, #tpu.memory_space<vmem>>)
      %mul3A_40 = arith.constant 64 : i32
      %mul3A_41 = arith.muli %add3A_25, %mul3A_40 : i32
      %add3A_42 = arith.addi %mul3A_2, %mul3A_41 : i32
      %dma_start3A_43 = arith.constant 0 : i32
      %dma_start3A_44 = tpu.memref_slice %arg5[%add3A_42, %dma_start3A_43] : memref<65536x256xi32, #tpu.memory_space<hbm>> -> memref<64x256xi32, #tpu.memory_space<hbm>>
      %dma_start3A_45 = arith.constant 0 : i32
      %dma_start3A_46 = tpu.memref_slice %arg5[%add3A_42, %dma_start3A_45] : memref<65536x256xi32, #tpu.memory_space<hbm>> -> memref<64x256xi32, #tpu.memory_space<hbm>>
      tpu.enqueue_dma source(%arg9 : memref<64x256xi32, #tpu.memory_space<vmem>>) target(%dma_start3A_46 : memref<64x256xi32, #tpu.memory_space<hbm>>) target_semaphore(%arg13 : memref<!tpu.dma_semaphore, #tpu.memory_space<semaphore_mem>>)
      %mul3A_47 = arith.constant 2 : i32
      %mul3A_48 = arith.muli %mul3A_47, %scan3A_21 : i32
      %add3A_49 = arith.constant 1 : i32
      %add3A_50 = arith.addi %mul3A_48, %add3A_49 : i32
      %dma_wait3A_51 = arith.constant 0 : i32
      %dma_wait3A_52 = tpu.memref_slice %arg5[%mul3A_2, %dma_wait3A_51] : memref<65536x256xi32, #tpu.memory_space<hbm>> -> memref<64x256xi32, #tpu.memory_space<hbm>>
      %dma_wait3A_53 = arith.constant 0 : i32
      %dma_wait3A_54 = tpu.memref_slice %arg5[%mul3A_2, %dma_wait3A_53] : memref<65536x256xi32, #tpu.memory_space<hbm>> -> memref<64x256xi32, #tpu.memory_space<hbm>>
      tpu.wait_dma2 semaphore(%arg13 : memref<!tpu.dma_semaphore, #tpu.memory_space<semaphore_mem>>) src(%arg9 : memref<64x256xi32, #tpu.memory_space<vmem>>) dst(%dma_wait3A_54 : memref<64x256xi32, #tpu.memory_space<hbm>>)
      %add3A_55 = arith.constant 2 : i32
      %add3A_56 = arith.addi %add3A_50, %add3A_55 : i32
      %sub3A_57 = arith.constant 1 : i32
      %sub3A_58 = arith.subi %add3A_56, %sub3A_57 : i32
      %lt3A_59 = arith.constant 32 : i32
      %lt3A_60 = arith.cmpi slt, %sub3A_58, %lt3A_59 : i32
      %convert_element_type3A_61 = arith.extui %lt3A_60 : i1 to i32
      %cond3A_62 = arith.constant 0 : i32
      %cond3A_63 = arith.cmpi ne, %convert_element_type3A_61, %cond3A_62 : i32
      scf.if %cond3A_63 {
        %add3A_76 = arith.constant 2 : i32
        %add3A_77 = arith.addi %add3A_50, %add3A_76 : i32
        %sub3A_78 = arith.constant 1 : i32
        %sub3A_79 = arith.subi %add3A_77, %sub3A_78 : i32
        %mul3A_80 = arith.constant 64 : i32
        %mul3A_81 = arith.muli %sub3A_79, %mul3A_80 : i32
        %dma_start3A_82 = tpu.memref_slice %arg8[%mul3A_81] : memref<2048xi32, #tpu.memory_space<vmem>> -> memref<64xi32, #tpu.memory_space<vmem>>
        %dma_start3A_83 = arith.constant 0 : i32
        %dma_start3A_84 = arith.constant 0 : i32
        %dma_start3A_85 = tpu.memref_slice %arg3[%dma_start3A_83, %dma_start3A_84] : memref<8192x256xi32, #tpu.memory_space<hbm>> -> memref<8192x256xi32, #tpu.memory_space<hbm>>
        tpu.enqueue_indirect_dma source(%dma_start3A_85 : memref<8192x256xi32, #tpu.memory_space<hbm>>) target(%arg9 : memref<64x256xi32, #tpu.memory_space<vmem>>) offsets(%dma_start3A_82 : memref<64xi32, #tpu.memory_space<vmem>>) semaphore(%arg11 : memref<!tpu.dma_semaphore, #tpu.memory_space<semaphore_mem>>)
      } else {
      }
      %dma_wait3A_64 = arith.constant 0 : i32
      %dma_wait3A_65 = tpu.memref_slice %arg8[%dma_wait3A_64] : memref<2048xi32, #tpu.memory_space<vmem>> -> memref<64xi32, #tpu.memory_space<vmem>>
      %dma_wait3A_66 = arith.constant 0 : i32
      %dma_wait3A_67 = arith.constant 0 : i32
      %dma_wait3A_68 = tpu.memref_slice %arg3[%dma_wait3A_66, %dma_wait3A_67] : memref<8192x256xi32, #tpu.memory_space<hbm>> -> memref<8192x256xi32, #tpu.memory_space<hbm>>
      tpu.wait_indirect_dma semaphore(%arg12 : memref<!tpu.dma_semaphore, #tpu.memory_space<semaphore_mem>>) src(%dma_wait3A_68 : memref<8192x256xi32, #tpu.memory_space<hbm>>) dst(%arg10 : memref<64x256xi32, #tpu.memory_space<vmem>>)
      %mul3A_69 = arith.constant 64 : i32
      %mul3A_70 = arith.muli %add3A_50, %mul3A_69 : i32
      %add3A_71 = arith.addi %mul3A_2, %mul3A_70 : i32
      %dma_start3A_72 = arith.constant 0 : i32
      %dma_start3A_73 = tpu.memref_slice %arg5[%add3A_71, %dma_start3A_72] : memref<65536x256xi32, #tpu.memory_space<hbm>> -> memref<64x256xi32, #tpu.memory_space<hbm>>
      %dma_start3A_74 = arith.constant 0 : i32
      %dma_start3A_75 = tpu.memref_slice %arg5[%add3A_71, %dma_start3A_74] : memref<65536x256xi32, #tpu.memory_space<hbm>> -> memref<64x256xi32, #tpu.memory_space<hbm>>
      tpu.enqueue_dma source(%arg10 : memref<64x256xi32, #tpu.memory_space<vmem>>) target(%dma_start3A_75 : memref<64x256xi32, #tpu.memory_space<hbm>>) target_semaphore(%arg13 : memref<!tpu.dma_semaphore, #tpu.memory_space<semaphore_mem>>)
    }
    %scan3A_17 = arith.constant 16 : i32
    %dma_wait3A = arith.constant 0 : i32
    %dma_wait3A_18 = tpu.memref_slice %arg5[%mul3A_2, %dma_wait3A] : memref<65536x256xi32, #tpu.memory_space<hbm>> -> memref<64x256xi32, #tpu.memory_space<hbm>>
    %dma_wait3A_19 = arith.constant 0 : i32
    %dma_wait3A_20 = tpu.memref_slice %arg5[%mul3A_2, %dma_wait3A_19] : memref<65536x256xi32, #tpu.memory_space<hbm>> -> memref<64x256xi32, #tpu.memory_space<hbm>>
    tpu.wait_dma2 semaphore(%arg13 : memref<!tpu.dma_semaphore, #tpu.memory_space<semaphore_mem>>) src(%arg10 : memref<64x256xi32, #tpu.memory_space<vmem>>) dst(%dma_wait3A_20 : memref<64x256xi32, #tpu.memory_space<hbm>>)
    return
  }
}

#map = affine_map<(d0, d1) -> (0)>
#map1 = affine_map<(d0, d1) -> (0, 0)>
module attributes {stable_mosaic.version = 14 : i64} {
  func.func @k(%arg0: i32, %arg1: i32, %arg2: memref<131072xi32, #tpu.memory_space<hbm>>, %arg3: memref<131072xi32, #tpu.memory_space<hbm>>, %arg4: memref<65536xi32, #tpu.memory_space<hbm>>, %arg5: memref<32x65536xi32, #tpu.memory_space<hbm>>, %arg6: memref<4096xi32, #tpu.memory_space<vmem>>, %arg7: memref<4096xi32, #tpu.memory_space<vmem>>, %arg8: memref<65536xi32, #tpu.memory_space<vmem>>, %arg9: memref<32xi32, #tpu.memory_space<vmem>>) attributes {dimension_semantics = [#tpu.dimension_semantics<core_parallel>, #tpu.dimension_semantics<subcore_parallel>], iteration_bounds = array<i64: 2, 16>, scalar_prefetch = 0 : i64, scratch_operands = 4 : i64, tpu.core_type = #tpu.core_type<sc_vector_subcore>, window_params = [{transform_indices = #map}, {transform_indices = #map}, {transform_indices = #map}, {transform_indices = #map1}]} {
    %mul3A = arith.constant 2 : i32
    %mul3A_0 = arith.muli %arg1, %mul3A : i32
    %add3A = arith.addi %mul3A_0, %arg0 : i32
    %mul3A_1 = arith.constant 4096 : i32
    %mul3A_2 = arith.muli %add3A, %mul3A_1 : i32
    "tpu.region"() ({
      %run_scoped3A = tpu.sem_alloc : memref<!tpu.dma_semaphore, #tpu.memory_space<semaphore_mem>>
      %dma_start3A = tpu.memref_slice %arg2[%mul3A_2] : memref<131072xi32, #tpu.memory_space<hbm>> -> memref<4096xi32, #tpu.memory_space<hbm>>
      %dma_start3A_10 = tpu.memref_slice %arg2[%mul3A_2] : memref<131072xi32, #tpu.memory_space<hbm>> -> memref<4096xi32, #tpu.memory_space<hbm>>
      tpu.enqueue_dma source(%dma_start3A_10 : memref<4096xi32, #tpu.memory_space<hbm>>) target(%arg6 : memref<4096xi32, #tpu.memory_space<vmem>>) target_semaphore(%run_scoped3A : memref<!tpu.dma_semaphore, #tpu.memory_space<semaphore_mem>>)
      %dma_wait3A = tpu.memref_slice %arg2[%mul3A_2] : memref<131072xi32, #tpu.memory_space<hbm>> -> memref<4096xi32, #tpu.memory_space<hbm>>
      %dma_wait3A_11 = tpu.memref_slice %arg2[%mul3A_2] : memref<131072xi32, #tpu.memory_space<hbm>> -> memref<4096xi32, #tpu.memory_space<hbm>>
      tpu.wait_dma2 semaphore(%run_scoped3A : memref<!tpu.dma_semaphore, #tpu.memory_space<semaphore_mem>>) src(%dma_wait3A_11 : memref<4096xi32, #tpu.memory_space<hbm>>) dst(%arg6 : memref<4096xi32, #tpu.memory_space<vmem>>)
      tpu.yield
    }) : () -> ()
    "tpu.region"() ({
      %run_scoped3A = tpu.sem_alloc : memref<!tpu.dma_semaphore, #tpu.memory_space<semaphore_mem>>
      %dma_start3A = tpu.memref_slice %arg3[%mul3A_2] : memref<131072xi32, #tpu.memory_space<hbm>> -> memref<4096xi32, #tpu.memory_space<hbm>>
      %dma_start3A_10 = tpu.memref_slice %arg3[%mul3A_2] : memref<131072xi32, #tpu.memory_space<hbm>> -> memref<4096xi32, #tpu.memory_space<hbm>>
      tpu.enqueue_dma source(%dma_start3A_10 : memref<4096xi32, #tpu.memory_space<hbm>>) target(%arg7 : memref<4096xi32, #tpu.memory_space<vmem>>) target_semaphore(%run_scoped3A : memref<!tpu.dma_semaphore, #tpu.memory_space<semaphore_mem>>)
      %dma_wait3A = tpu.memref_slice %arg3[%mul3A_2] : memref<131072xi32, #tpu.memory_space<hbm>> -> memref<4096xi32, #tpu.memory_space<hbm>>
      %dma_wait3A_11 = tpu.memref_slice %arg3[%mul3A_2] : memref<131072xi32, #tpu.memory_space<hbm>> -> memref<4096xi32, #tpu.memory_space<hbm>>
      tpu.wait_dma2 semaphore(%run_scoped3A : memref<!tpu.dma_semaphore, #tpu.memory_space<semaphore_mem>>) src(%dma_wait3A_11 : memref<4096xi32, #tpu.memory_space<hbm>>) dst(%arg7 : memref<4096xi32, #tpu.memory_space<vmem>>)
      tpu.yield
    }) : () -> ()
    "tpu.region"() ({
      %run_scoped3A = tpu.sem_alloc : memref<!tpu.dma_semaphore, #tpu.memory_space<semaphore_mem>>
      tpu.enqueue_dma source(%arg4 : memref<65536xi32, #tpu.memory_space<hbm>>) target(%arg8 : memref<65536xi32, #tpu.memory_space<vmem>>) target_semaphore(%run_scoped3A : memref<!tpu.dma_semaphore, #tpu.memory_space<semaphore_mem>>)
      tpu.wait_dma2 semaphore(%run_scoped3A : memref<!tpu.dma_semaphore, #tpu.memory_space<semaphore_mem>>) src(%arg4 : memref<65536xi32, #tpu.memory_space<hbm>>) dst(%arg8 : memref<65536xi32, #tpu.memory_space<vmem>>)
      tpu.yield
    }) : () -> ()
    %iota3A = tpu.iota {dimensions = array<i32: 0>} : vector<16xi32>
    %broadcast_in_dim3A = arith.constant 0 : i32
    %broadcast_in_dim3A_3 = vector.broadcast %broadcast_in_dim3A : i32 to vector<16xi32>
    %swap3A = arith.constant 16 : index
    %swap3A_4 = tpu.vector_load %arg9[%swap3A] {strides = array<i32>} : memref<32xi32, #tpu.memory_space<vmem>>, vector<16xi32>,
    tpu.vector_store %arg9[%swap3A], %broadcast_in_dim3A_3 {strides = array<i32>} : memref<32xi32, #tpu.memory_space<vmem>>, vector<16xi32>,
    %scan3A = arith.constant 0 : i32
    %scan3A_5 = arith.constant 0 : i32
    %scan3A_6 = arith.constant 256 : i32
    %scan3A_7 = arith.addi %scan3A_5, %scan3A_6 : i32
    %scan3A_8 = arith.constant 1 : i32
    scf.for %scan3A_10 = %scan3A_5 to %scan3A_7 step %scan3A_8  : i32 {
      %mul3A_11 = arith.constant 16 : i32
      %mul3A_12 = arith.muli %scan3A_10, %mul3A_11 : i32
      %get3A = arith.index_cast %mul3A_12 : i32 to index
      %get3A_13 = tpu.vector_load %arg6[%get3A] {strides = array<i32>} : memref<4096xi32, #tpu.memory_space<vmem>>, vector<16xi32>,
      %get3A_14 = arith.index_cast %mul3A_12 : i32 to index
      %get3A_15 = tpu.vector_load %arg7[%get3A_14] {strides = array<i32>} : memref<4096xi32, #tpu.memory_space<vmem>>, vector<16xi32>,
      %mul3A_16 = arith.constant 4096 : i32
      %mul3A_17 = vector.broadcast %mul3A_16 : i32 to vector<16xi32>
      %mul3A_18 = arith.muli %get3A_13, %mul3A_17 : vector<16xi32>
      %add3A_19 = vector.broadcast %mul3A_12 : i32 to vector<16xi32>
      %add3A_20 = arith.addi %add3A_19, %iota3A : vector<16xi32>
      %add3A_21 = arith.addi %mul3A_18, %add3A_20 : vector<16xi32>
      %masked_sort3A = arith.constant dense<true> : vector<16xi1>
      %masked_sort3A_22 = arith.constant -2147483648 : i32
      %masked_sort3A_23 = vector.broadcast %masked_sort3A_22 : i32 to vector<16xi32>
      %masked_sort3A_24 = arith.xori %add3A_21, %masked_sort3A_23 : vector<16xi32>
      %masked_sort3A_25, %masked_sort3A_26, %masked_sort3A_27 = tpu.sort %masked_sort3A_24, %get3A_15 masked %masked_sort3A : (vector<16xi32>, vector<16xi32>, vector<16xi1>) -> (vector<16xi1>, vector<16xi32>, vector<16xi32>)
      %masked_sort3A_28 = arith.xori %masked_sort3A_26, %masked_sort3A_23 : vector<16xi32>
      %jit3A = arith.constant 4096 : i32
      %div3A = vector.broadcast %jit3A : i32 to vector<16xi32>
      %div3A_29 = arith.divsi %masked_sort3A_28, %div3A : vector<16xi32>
      %sign3A = arith.constant 0 : i32
      %sign3A_30 = vector.broadcast %sign3A : i32 to vector<16xi32>
      %sign3A_31 = arith.cmpi sgt, %masked_sort3A_28, %sign3A_30 : vector<16xi32>
      %sign3A_32 = arith.extui %sign3A_31 : vector<16xi1> to vector<16xi32>
      %sign3A_33 = arith.constant 0 : i32
      %sign3A_34 = vector.broadcast %sign3A_33 : i32 to vector<16xi32>
      %sign3A_35 = arith.cmpi slt, %masked_sort3A_28, %sign3A_34 : vector<16xi32>
      %sign3A_36 = arith.extui %sign3A_35 : vector<16xi1> to vector<16xi32>
      %sign3A_37 = arith.subi %sign3A_32, %sign3A_36 : vector<16xi32>
      %sign3A_38 = arith.constant 0 : i32
      %sign3A_39 = arith.cmpi sgt, %jit3A, %sign3A_38 : i32
      %sign3A_40 = arith.extui %sign3A_39 : i1 to i32
      %sign3A_41 = arith.constant 0 : i32
      %sign3A_42 = arith.cmpi slt, %jit3A, %sign3A_41 : i32
      %sign3A_43 = arith.extui %sign3A_42 : i1 to i32
      %sign3A_44 = arith.subi %sign3A_40, %sign3A_43 : i32
      %ne3A = vector.broadcast %sign3A_44 : i32 to vector<16xi32>
      %ne3A_45 = arith.cmpi ne, %sign3A_37, %ne3A : vector<16xi32>
      %rem3A = vector.broadcast %jit3A : i32 to vector<16xi32>
      %rem3A_46 = arith.remsi %masked_sort3A_28, %rem3A : vector<16xi32>
      %ne3A_47 = arith.constant 0 : i32
      %ne3A_48 = vector.broadcast %ne3A_47 : i32 to vector<16xi32>
      %ne3A_49 = arith.cmpi ne, %rem3A_46, %ne3A_48 : vector<16xi32>
      %and3A = arith.andi %ne3A_45, %ne3A_49 : vector<16xi1>
      %sub3A = arith.constant 1 : i32
      %sub3A_50 = vector.broadcast %sub3A : i32 to vector<16xi32>
      %sub3A_51 = arith.subi %div3A_29, %sub3A_50 : vector<16xi32>
      %select_n3A = arith.select %and3A, %sub3A_51, %div3A_29 : vector<16xi1>, vector<16xi32>
      %swap3A_52 = arith.constant 0 : index
      %swap3A_53 = tpu.vector_load %arg9[%swap3A_52] {strides = array<i32>} : memref<32xi32, #tpu.memory_space<vmem>>, vector<16xi32>,
      tpu.vector_store %arg9[%swap3A_52], %select_n3A {strides = array<i32>} : memref<32xi32, #tpu.memory_space<vmem>>, vector<16xi32>,
      %get3A_54 = arith.constant 1 : index
      %get3A_55 = tpu.vector_load %arg9[%get3A_54] {strides = array<i32>} : memref<32xi32, #tpu.memory_space<vmem>>, vector<16xi32>,
      %ne3A_56 = arith.cmpi ne, %select_n3A, %get3A_55 : vector<16xi32>
      %eq3A = arith.constant 15 : i32
      %eq3A_57 = vector.broadcast %eq3A : i32 to vector<16xi32>
      %eq3A_58 = arith.cmpi eq, %iota3A, %eq3A_57 : vector<16xi32>
      %or3A = arith.ori %ne3A_56, %eq3A_58 : vector<16xi1>
      tpu.vector_store_idx %arg8[%select_n3A], %masked_sort3A_27 masked %or3A : memref<65536xi32, #tpu.memory_space<vmem>>[vector<16xi32>], vector<16xi32>, vector<16xi1>
    }
    %scan3A_9 = arith.constant 256 : i32
    "tpu.region"() ({
      %run_scoped3A = tpu.sem_alloc : memref<!tpu.dma_semaphore, #tpu.memory_space<semaphore_mem>>
      %dma_start3A = arith.constant 0 : i32
      %dma_start3A_10 = tpu.memref_slice %arg5[%add3A, %dma_start3A] : memref<32x65536xi32, #tpu.memory_space<hbm>> -> memref<1x65536xi32, #tpu.memory_space<hbm>>
      %dma_start3A_11 = tpu.memref_squeeze %dma_start3A_10 : memref<1x65536xi32, #tpu.memory_space<hbm>> -> memref<65536xi32, #tpu.memory_space<hbm>>
      %dma_start3A_12 = arith.constant 0 : i32
      %dma_start3A_13 = tpu.memref_slice %arg5[%add3A, %dma_start3A_12] : memref<32x65536xi32, #tpu.memory_space<hbm>> -> memref<1x65536xi32, #tpu.memory_space<hbm>>
      %dma_start3A_14 = tpu.memref_squeeze %dma_start3A_13 : memref<1x65536xi32, #tpu.memory_space<hbm>> -> memref<65536xi32, #tpu.memory_space<hbm>>
      tpu.enqueue_dma source(%arg8 : memref<65536xi32, #tpu.memory_space<vmem>>) target(%dma_start3A_14 : memref<65536xi32, #tpu.memory_space<hbm>>) target_semaphore(%run_scoped3A : memref<!tpu.dma_semaphore, #tpu.memory_space<semaphore_mem>>)
      %dma_wait3A = arith.constant 0 : i32
      %dma_wait3A_15 = tpu.memref_slice %arg5[%add3A, %dma_wait3A] : memref<32x65536xi32, #tpu.memory_space<hbm>> -> memref<1x65536xi32, #tpu.memory_space<hbm>>
      %dma_wait3A_16 = tpu.memref_squeeze %dma_wait3A_15 : memref<1x65536xi32, #tpu.memory_space<hbm>> -> memref<65536xi32, #tpu.memory_space<hbm>>
      %dma_wait3A_17 = arith.constant 0 : i32
      %dma_wait3A_18 = tpu.memref_slice %arg5[%add3A, %dma_wait3A_17] : memref<32x65536xi32, #tpu.memory_space<hbm>> -> memref<1x65536xi32, #tpu.memory_space<hbm>>
      %dma_wait3A_19 = tpu.memref_squeeze %dma_wait3A_18 : memref<1x65536xi32, #tpu.memory_space<hbm>> -> memref<65536xi32, #tpu.memory_space<hbm>>
      tpu.wait_dma2 semaphore(%run_scoped3A : memref<!tpu.dma_semaphore, #tpu.memory_space<semaphore_mem>>) src(%arg8 : memref<65536xi32, #tpu.memory_space<vmem>>) dst(%dma_wait3A_19 : memref<65536xi32, #tpu.memory_space<hbm>>)
      tpu.yield
    }) : () -> ()
    return
  }
}

module attributes {stable_mosaic.version = 14 : i64} {
  func.func @_fused_body(%arg0: i32, %arg1: memref<512x512xf32, #tpu.memory_space<vmem>>, %arg2: memref<512x256xi32, #tpu.memory_space<vmem>>, %arg3: memref<1x1x512xi32, #tpu.memory_space<vmem>>, %arg4: memref<512x1024xbf16, #tpu.memory_space<vmem>>, %arg5: memref<256x1024xbf16, #tpu.memory_space<vmem>>, %arg6: memref<256x1024xbf16, #tpu.memory_space<vmem>>, %arg7: memref<1x1024xf32, #tpu.memory_space<vmem>>, %arg8: memref<512x512xf32, #tpu.memory_space<vmem>>) attributes {dimension_semantics = [#tpu.dimension_semantics<arbitrary>], iteration_bounds = array<i64: 128>, scalar_prefetch = 0 : i64, scratch_operands = 0 : i64, tpu.core_type = #tpu.core_type<tc>, window_params = [{transform_indices = @transform_0, window_bounds = array<i64: 512, 512>}, {transform_indices = @transform_1, window_bounds = array<i64: 512, 256>}, {transform_indices = @transform_2, window_bounds = array<i64: 1, 1, 512>}, {pipeline_mode = #tpu.pipeline_mode<synchronous>, transform_indices = @transform_3, window_bounds = array<i64: 512, 1024>}, {pipeline_mode = #tpu.pipeline_mode<synchronous>, transform_indices = @transform_4, window_bounds = array<i64: 256, 1024>}, {pipeline_mode = #tpu.pipeline_mode<synchronous>, transform_indices = @transform_5, window_bounds = array<i64: 256, 1024>}, {pipeline_mode = #tpu.pipeline_mode<synchronous>, transform_indices = @transform_6, window_bounds = array<i64: 1, 1024>}, {transform_indices = @transform_7, window_bounds = array<i64: 512, 512>}]} {
    %get3A = arith.constant 0 : index
    %get3A_0 = arith.constant 0 : index
    %get3A_1 = vector.load %arg1[%get3A, %get3A_0] : memref<512x512xf32, #tpu.memory_space<vmem>>, vector<512x512xf32>
    %get3A_2 = arith.constant 0 : index
    %get3A_3 = arith.constant 0 : index
    %get3A_4 = vector.load %arg2[%get3A_2, %get3A_3] : memref<512x256xi32, #tpu.memory_space<vmem>>, vector<512x256xi32>
    %shift_left3A = arith.constant 16 : i32
    %shift_left3A_5 = vector.broadcast %shift_left3A : i32 to vector<512x256xi32>
    %shift_left3A_6 = arith.shli %get3A_4, %shift_left3A_5 : vector<512x256xi32>
    %bitcast3A = tpu.bitcast %shift_left3A_6 : vector<512x256xi32> -> vector<512x256xf32>
    %convert_element_type3A = arith.truncf %bitcast3A : vector<512x256xf32> to vector<512x256xbf16>
    %and3A = arith.constant -65536 : i32
    %and3A_7 = vector.broadcast %and3A : i32 to vector<512x256xi32>
    %and3A_8 = arith.andi %get3A_4, %and3A_7 : vector<512x256xi32>
    %bitcast3A_9 = tpu.bitcast %and3A_8 : vector<512x256xi32> -> vector<512x256xf32>
    %convert_element_type3A_10 = arith.truncf %bitcast3A_9 : vector<512x256xf32> to vector<512x256xbf16>
    %convert_element_type3A_11 = arith.truncf %get3A_1 : vector<512x512xf32> to vector<512x512xbf16>
    %get3A_12 = arith.constant 0 : index
    %get3A_13 = arith.constant 0 : index
    %get3A_14 = vector.load %arg4[%get3A_12, %get3A_13] : memref<512x1024xbf16, #tpu.memory_space<vmem>>, vector<512x1024xbf16>
    %dot_general3A = arith.constant dense<0.000000e+00> : vector<512x1024xf32>
    %dot_general3A_15 = tpu.matmul %convert_element_type3A_11, %get3A_14, %dot_general3A {dimension_numbers = #tpu.dot_dimension_numbers<[1], [0], [0], [1], [0, 0, 1, 1], [], []>, transpose_lhs_hint = false} : vector<512x512xbf16>, vector<512x1024xbf16>, vector<512x1024xf32> -> vector<512x1024xf32>
    %get3A_16 = arith.constant 0 : index
    %get3A_17 = arith.constant 0 : index
    %get3A_18 = vector.load %arg5[%get3A_16, %get3A_17] : memref<256x1024xbf16, #tpu.memory_space<vmem>>, vector<256x1024xbf16>
    %dot_general3A_19 = arith.constant dense<0.000000e+00> : vector<512x1024xf32>
    %dot_general3A_20 = tpu.matmul %convert_element_type3A, %get3A_18, %dot_general3A_19 {dimension_numbers = #tpu.dot_dimension_numbers<[1], [0], [0], [1], [0, 0, 1, 1], [], []>, transpose_lhs_hint = false} : vector<512x256xbf16>, vector<256x1024xbf16>, vector<512x1024xf32> -> vector<512x1024xf32>
    %add3A = arith.addf %dot_general3A_15, %dot_general3A_20 : vector<512x1024xf32>
    %get3A_21 = arith.constant 0 : index
    %get3A_22 = arith.constant 0 : index
    %get3A_23 = vector.load %arg6[%get3A_21, %get3A_22] : memref<256x1024xbf16, #tpu.memory_space<vmem>>, vector<256x1024xbf16>
    %dot_general3A_24 = arith.constant dense<0.000000e+00> : vector<512x1024xf32>
    %dot_general3A_25 = tpu.matmul %convert_element_type3A_10, %get3A_23, %dot_general3A_24 {dimension_numbers = #tpu.dot_dimension_numbers<[1], [0], [0], [1], [0, 0, 1, 1], [], []>, transpose_lhs_hint = false} : vector<512x256xbf16>, vector<256x1024xbf16>, vector<512x1024xf32> -> vector<512x1024xf32>
    %add3A_26 = arith.addf %add3A, %dot_general3A_25 : vector<512x1024xf32>
    %get3A_27 = arith.constant 0 : index
    %get3A_28 = arith.constant 0 : index
    %get3A_29 = vector.load %arg7[%get3A_27, %get3A_28] : memref<1x1024xf32, #tpu.memory_space<vmem>>, vector<1x1024xf32>
    %add3A_30 = vector.broadcast %get3A_29 : vector<1x1024xf32> to vector<512x1024xf32>
    %add3A_31 = arith.addf %add3A_26, %add3A_30 : vector<512x1024xf32>
    %slice3A = vector.extract_strided_slice %add3A_31 {offsets = [0, 0], sizes = [512, 512], strides = [1, 1]} : vector<512x1024xf32> to vector<512x512xf32>
    %logistic3A = arith.negf %slice3A : vector<512x512xf32>
    %logistic3A_32 = math.exp %logistic3A : vector<512x512xf32>
    %logistic3A_33 = arith.constant 1.000000e+00 : f32
    %logistic3A_34 = vector.broadcast %logistic3A_33 : f32 to vector<512x512xf32>
    %logistic3A_35 = arith.addf %logistic3A_34, %logistic3A_32 : vector<512x512xf32>
    %logistic3A_36 = arith.divf %logistic3A_34, %logistic3A_35 : vector<512x512xf32>
    %slice3A_37 = vector.extract_strided_slice %add3A_31 {offsets = [0, 512], sizes = [512, 512], strides = [1, 1]} : vector<512x1024xf32> to vector<512x512xf32>
    %tanh3A = math.tanh %slice3A_37 : vector<512x512xf32>
    %get3A_38 = arith.constant 0 : index
    %get3A_39 = arith.constant 0 : index
    %get3A_40 = arith.constant 0 : index
    %get3A_41 = vector.load %arg3[%get3A_38, %get3A_39, %get3A_40] : memref<1x1x512xi32, #tpu.memory_space<vmem>>, vector<1x1x512xi32>
    %get3A_42 = vector.shape_cast %get3A_41 : vector<1x1x512xi32> to vector<512xi32>
    %ge3A = arith.constant 0 : i32
    %ge3A_43 = vector.broadcast %ge3A : i32 to vector<512xi32>
    %ge3A_44 = arith.cmpi sge, %get3A_42, %ge3A_43 : vector<512xi32>
    %convert_element_type3A_45 = arith.extui %ge3A_44 : vector<512xi1> to vector<512xi32>
    %convert_element_type3A_46 = arith.sitofp %convert_element_type3A_45 : vector<512xi32> to vector<512xf32>
    %reshape3A = vector.shape_cast %convert_element_type3A_46 : vector<512xf32> to vector<512x1xf32>
    %mul3A = vector.broadcast %reshape3A : vector<512x1xf32> to vector<512x512xf32>
    %mul3A_47 = arith.mulf %mul3A, %logistic3A_36 : vector<512x512xf32>
    %sub3A = arith.subf %tanh3A, %get3A_1 : vector<512x512xf32>
    %mul3A_48 = arith.mulf %mul3A_47, %sub3A : vector<512x512xf32>
    %add3A_49 = arith.addf %get3A_1, %mul3A_48 : vector<512x512xf32>
    %swap3A = arith.constant 0 : index
    %swap3A_50 = arith.constant 0 : index
    %swap3A_51 = vector.load %arg8[%swap3A, %swap3A_50] : memref<512x512xf32, #tpu.memory_space<vmem>>, vector<512x512xf32>
    tpu.vector_store %arg8[%swap3A, %swap3A_50], %add3A_49 {strides = array<i32>} : memref<512x512xf32, #tpu.memory_space<vmem>>, vector<512x512xf32>,
    return
  }
  func.func @transform_0(%arg0: i32) -> (i32, i32) {
    %c0_i32 = arith.constant 0 : i32
    %c0_i32_0 = arith.constant 0 : i32
    return %arg0, %c0_i32 : i32, i32
  }
  func.func @transform_1(%arg0: i32) -> (i32, i32) {
    %c0_i32 = arith.constant 0 : i32
    %c0_i32_0 = arith.constant 0 : i32
    return %arg0, %c0_i32 : i32, i32
  }
  func.func @transform_2(%arg0: i32) -> (i32, i32, i32) {
    %c0_i32 = arith.constant 0 : i32
    %c0_i32_0 = arith.constant 0 : i32
    %c0_i32_1 = arith.constant 0 : i32
    return %arg0, %c0_i32, %c0_i32_0 : i32, i32, i32
  }
  func.func @transform_3(%arg0: i32) -> (i32, i32) {
    %c0_i32 = arith.constant 0 : i32
    %c0_i32_0 = arith.constant 0 : i32
    %c0_i32_1 = arith.constant 0 : i32
    return %c0_i32, %c0_i32_0 : i32, i32
  }
  func.func @transform_4(%arg0: i32) -> (i32, i32) {
    %c0_i32 = arith.constant 0 : i32
    %c0_i32_0 = arith.constant 0 : i32
    %c0_i32_1 = arith.constant 0 : i32
    return %c0_i32, %c0_i32_0 : i32, i32
  }
  func.func @transform_5(%arg0: i32) -> (i32, i32) {
    %c0_i32 = arith.constant 0 : i32
    %c0_i32_0 = arith.constant 0 : i32
    %c0_i32_1 = arith.constant 0 : i32
    return %c0_i32, %c0_i32_0 : i32, i32
  }
  func.func @transform_6(%arg0: i32) -> (i32, i32) {
    %c0_i32 = arith.constant 0 : i32
    %c0_i32_0 = arith.constant 0 : i32
    %c0_i32_1 = arith.constant 0 : i32
    return %c0_i32, %c0_i32_0 : i32, i32
  }
  func.func @transform_7(%arg0: i32) -> (i32, i32) {
    %c0_i32 = arith.constant 0 : i32
    %c0_i32_0 = arith.constant 0 : i32
    return %arg0, %c0_i32 : i32, i32
  }
}

</mosaic_0001>

<sc_bundles>
// kernel: kernel.5.cloned.1.call-start
scs
__scs_entry_jumppad:
0x0: {  	(pc) =	sbr.rel $0x88, $3  }
0x1: {  	(tag) =	ssettag $0x0;
	lr =	simm.s32 $0x1  }
0x2: {  	[smem:$0x3F98] =	sst lr;
	_ =	strace $0xD0000000  }
0x3: {  	_ = 	snop  }
0x4: {  	_ = 	snop  }
0x5: {  	_ = 	snop  }
0x6: {  	_ = 	snop  }
0x7: {  	_ = 	snop  }
__scs_overlays_trampoline_lowered:
0x8: {  	[smem:$0x3FA7] =	sst s0  }
0x9: {  	[smem:$0x3FA8] =	sst s1  }
0xa: {  	[smem:$0x3FA9] =	sst s2  }
0xb: {  	[smem:$0x3FAA] =	sst s3  }
0xc: {  	[smem:$0x3FAB] =	sst s4  }
0xd: {  	[smem:$0x3FAC] =	sst s5  }
0xe: {  	[smem:$0x3FAD] =	sst s6  }
0xf: {  	[smem:$0x3FAE] =	sst s7  }
0x10: {  	[smem:$0x3FAF] =	sst s8  }
0x11: {  	[smem:$0x3FB0] =	sst s9;
	s0 =	simm.s32 @!p0 $0x0  }
0x12: {  	s1 =	sld [smem:$0x3F96];
	s0 =	simm.s32 @p0 $0x1  }
0x13: {  	[smem:$0x3FB1] =	sst s0;
	s0 =	simm.s32 @!p1 $0x0  }
0x14: {  	s2 =	sld [smem:$0x3F95];
	s0 =	simm.s32 @p1 $0x1  }
0x15: {  	[smem:$0x3FB2] =	sst s0;
	s0 =	simm.s32 @!p2 $0x0  }
0x16: {  	s3 =	sld [smem:$0x3FDB];
	s0 =	simm.s32 @p2 $0x1  }
0x17: {  	s4 =	simm.s32 $0x1BF5;
	[smem:$0x3FB4] =	sst s0  }
0x18: {  	s0 =	sld [smem:$0x3F97];
	_ =	swait.ge [sflag:s4], $0x0  }
0x19: {  	s7 =	sld [smem:$0x3F98]  }
0x1a: {  	s8 =	sadd.s32 $0xFFFFE003, lr  }
0x1b: {  	s9 =	sadd.s32 $0xFFFFFEF7, lr;
	s5 =	simm.s32 $0xFFFFFFFF;
	p2 =	slt.u32 s8, $0xFFFFF086  }
0x1c: {  	p1 =	slt.u32 s9, $0xF7A;
	s5 =	simm.s32 @!p2 $0x0  }
0x1d: {  	s5 =	simm.s32 @p1 $0x1;
	p0 =	seq.s32 s7, s2  }
0x1e: {  	s7 =	smul.u32 @!p0 $0xF7A, s2;
	p2 =	seq.s32 @!p0 s5, $0x0  }
0x1f: {  	s9 =	smul.u32 $0xF7A, s1;
	s8 =	simm.s32 @!p0 $0x1BF5;
	p2 =	por !p2, p0  }
0x20: {  	[sflag:s8] =	ssyncset.s32 @!p0 $0xFFFFF086;
	s6 =	sadd.s32 @!p0 s3, s7;
	s7 =	simm.s32 @!p0 $0x108  }
0x21: {  	s3 =	sadd.s32 s3, s9;
	s6 =	sadd.s32 @!p0 $0x88, s6;
	s7 =	simm.s32 @p2 $0x1082  }
0x22: {  	[simem:s7], [sflag:s8] =	dma.local @!p0 [hbm:s6], $0xF7A  }
0x23: {  	s9 =	sor.u32 $0xD0000000, s2;
	s6 =	simm.s32 $0x108;
	_ =	swait.ge @!p0 [sflag:s8], $0x0  }
0x24: {  	s3 =	sadd.s32 $0x88, s3;
	s6 =	simm.s32 @!p1 $0x1082;
	[sflag:s4] =	ssyncset.s32 $0xFFFFF086  }
0x25: {  	[simem:s6], [sflag:s4] =	dma.local [hbm:s3], $0xF7A  }
0x26: {  	[smem:$0x3F98] =	sst s1;
	(tag) =	ssettag s2;
	_ =	strace s9  }
0x27: {  	s1 =	sld [smem:$0x3FA8]  }
0x28: {  	s2 =	sld [smem:$0x3FA9]  }
0x29: {  	s4 =	sld [smem:$0x3FAB]  }
0x2a: {  	p0 =	seq.s32 s5, $0x0;
	s5 =	sld [smem:$0x3FAC]  }
0x2b: {  	s6 =	sld [smem:$0x3FAD]  }
0x2c: {  	s7 =	sld [smem:$0x3FAE]  }
0x2d: {  	s3 =	simm.s32 $0x108;
	s8 =	sld [smem:$0x3FAF]  }
0x2e: {  	s3 =	simm.s32 @!p0 $0x1082;
	s9 =	sld [smem:$0x3FB0]  }
0x2f: {  	lr =	sadd.s32 s0, s3;
	s0 =	sld [smem:$0x3FA7]  }
0x30: {  	s3 =	sld [smem:$0x3FAA]  }
0x31: {  	[smem:$0x3FB3] =	sst s10  }
0x32: {  	s10 =	sld [smem:$0x3FB1];
	_ =	sdelay $0x3  }
0x33: {  	p0 =	seq.s32 s10, $0x1;
	s10 =	sld [smem:$0x3FB3];
	_ =	sdelay $0x3  }
0x34: {  	[smem:$0x3FB3] =	sst s10  }
0x35: {  	s10 =	sld [smem:$0x3FB2];
	_ =	sdelay $0x3  }
0x36: {  	p1 =	seq.s32 s10, $0x1;
	s10 =	sld [smem:$0x3FB3];
	_ =	sdelay $0x3  }
0x37: {  	[smem:$0x3FB3] =	sst s10  }
0x38: {  	s10 =	sld [smem:$0x3FB4]  }
0x39: {  	_ = 	snop;
	(pc) =	sbr.ind lr, $3  }
0x3a: {  	_ = 	snop  }
0x3b: {  	_ = 	snop  }
0x3c: {  	p2 =	seq.s32 s10, $0x1;
	s10 =	sld [smem:$0x3FB3]  }
0x3d: {  	_ =	shalt  }
0x3e: {  	_ =	shalt  }
0x3f: {  	_ =	shalt  }
0x40: {  	_ =	shalt  }
0x41: {  	_ =	shalt  }
0x42: {  	_ =	shalt  }
0x43: {  	_ =	shalt  }
0x44: {  	_ =	shalt  }
0x45: {  	_ =	shalt  }
0x46: {  	_ =	shalt  }
0x47: {  	_ =	shalt  }
0x48: {  	_ =	shalt  }
0x49: {  	_ =	shalt  }
0x4a: {  	_ =	shalt  }
0x4b: {  	_ =	shalt  }
0x4c: {  	_ =	shalt  }
0x4d: {  	_ =	shalt  }
0x4e: {  	_ =	shalt  }
0x4f: {  	_ =	shalt  }
0x50: {  	_ =	shalt  }
0x51: {  	_ =	shalt  }
0x52: {  	_ =	shalt  }
0x53: {  	_ =	shalt  }
0x54: {  	_ =	shalt  }
0x55: {  	_ =	shalt  }
0x56: {  	_ =	shalt  }
0x57: {  	_ =	shalt  }
0x58: {  	_ =	shalt  }
0x59: {  	_ =	shalt  }
0x5a: {  	_ =	shalt  }
0x5b: {  	_ =	shalt  }
0x5c: {  	_ =	shalt  }
0x5d: {  	_ =	shalt  }
0x5e: {  	_ =	shalt  }
0x5f: {  	_ =	shalt  }
0x60: {  	_ =	shalt  }
0x61: {  	_ =	shalt  }
0x62: {  	_ =	shalt  }
0x63: {  	_ =	shalt  }
0x64: {  	_ =	shalt  }
0x65: {  	_ =	shalt  }
0x66: {  	_ =	shalt  }
0x67: {  	_ =	shalt  }
0x68: {  	_ =	shalt  }
0x69: {  	_ =	shalt  }
0x6a: {  	_ =	shalt  }
0x6b: {  	_ =	shalt  }
0x6c: {  	_ =	shalt  }
0x6d: {  	_ =	shalt  }
0x6e: {  	_ =	shalt  }
0x6f: {  	_ =	shalt  }
0x70: {  	_ =	shalt  }
0x71: {  	_ =	shalt  }
0x72: {  	_ =	shalt  }
0x73: {  	_ =	shalt  }
0x74: {  	_ =	shalt  }
0x75: {  	_ =	shalt  }
0x76: {  	_ =	shalt  }
0x77: {  	_ =	shalt  }
0x78: {  	_ =	shalt  }
0x79: {  	_ =	shalt  }
0x7a: {  	_ =	shalt  }
0x7b: {  	_ =	shalt  }
0x7c: {  	_ =	shalt  }
0x7d: {  	_ =	shalt  }
0x7e: {  	_ =	shalt  }
0x7f: {  	_ =	shalt  }
0x80: {  	_ =	shalt  }
0x81: {  	_ =	shalt  }
0x82: {  	_ =	shalt  }
0x83: {  	_ =	shalt  }
0x84: {  	_ =	shalt  }
0x85: {  	_ =	shalt  }
0x86: {  	_ =	shalt  }
0x87: {  	_ =	shalt  }
.Lfunc_end0:
.L_simem_size_0:
called_computation_lowered:
.L_overlay_start_0:
0x88: {  	s2 =	sld [smem:$0x3FD9]  }
0x89: {  	s3 =	sld [smem:$0x3FFE];
	_ =	sdelay $0x1  }
0x8a: {  	s1 =	srdreg.scid  }
0x8b: {  	s0 =	sand.u32 $0x1, s1  }
0x8c: {  	s17 =	sshll.u32 s0, $0xA;
	s2 =	sadd.s32 s3, s2  }
0x8d: {  	s2 =	sadd.s32 s2, s17  }
0x8e: {  	[smem:$0x3FBF] =	sst s2  }
0x8f: {  	_ = 	snop  }
0x90: {  	s2 =	sld [smem:$0x3FC5];
	(tm) =	ssettm $0x1  }
0x91: {  	s18 =	sld [smem:$0x3FFB];
	_ =	sdelay $0x3  }
0x92: {  	_ =	strace s18  }
0x93: {  	s3 =	sld [smem:$0x3FFC];
	_ =	sdelay $0x3  }
0x94: {  	_ =	strace s3  }
0x95: {  	s3 =	sld [smem:$0x3FFD];
	_ =	sdelay $0x3  }
0x96: {  	_ =	strace s3  }
0x97: {  	_ =	strace $0x8FFFFFFF  }
0x98: {  	s19 =	sld [smem:$0x3FDB];
	_ =	sdelay $0x1  }
0x99: {  	s4 =	simm.s32 $_scs_section_size  }
0x9a: {  	s5 =	simm.s32 $_size__tile_overlayer_lowered;
	s6 =	simm.s32 $_tile_overlayer_lowered  }
0x9b: {  	s22 =	simm.s32 $0x1BFF;
	s21 =	sshll.u32 s6, $0x1;
	s3 =	sadd.s32 s4, s19  }
0x9c: {  	s7 =	simm.s32 $0x0;
	s20 =	sshll.u32 s5, $0x1;
	s5 =	sadd.s32 s21, s3  }
0x9d: {  	[timem:s7], [sflag:s22] =	dma.local [hbm:s5], s20  }
0x9e: {  	_ =	swait.ge [sflag:s22], s20  }
0x9f: {  	s4 =	ssub.s32 $0x0, s20;
	[sflag:s22] =	ssyncset.done $0x0  }
0xa0: {  	[sflag:s22] =	ssyncadd.s32 s4;
	_ =	sdelay $0x1  }
0xa1: {  	s23 =	simm.s32 $0x1B8B  }
0xa2: {  	_ =	swait.ge [sflag:s23], $0x1  }
0xa3: {  	[sflag:s23] =	ssyncset.done $0x0  }
0xa4: {  	s25 =	simm.s32 $0x1B8E;
	s24 =	sld [smem:$0x3FFE];
	[sflag:s23] =	ssyncadd.s32 $0xFFFFFFFF  }
0xa5: {  	s26 =	simm.s32 $execute0_lowered;
	[smem:$0x3FD2] =	sst s25  }
0xa6: {  	s5 =	sshll.u32 s26, $0x1;
	_ =	strace $0x80000046;
	[dreg:$0x1] =	wrdreg $0xFFFFFFFF  }
0xa7: {  	s28 =	simm.s32 $_size_execute0_lowered;
	s3 =	sadd.s32 s3, s5;
	[dreg:$0x0] =	wrdreg $0x0  }
0xa8: {  	s5 =	sshll.u32 s28, $0x1;
	[dreg:$0x2] =	wrdreg s3  }
0xa9: {  	[dreg:$0x3] =	wrdreg s5  }
0xaa: {  	[dreg:$0x4] =	wrdreg $0xC0  }
0xab: {  	_ =	task [dreg:s7], $0x5FFFF  }
0xac: {  	[dreg:$0x1] =	wrdreg $0xFFFFFFFF  }
0xad: {  	[dreg:$0x0] =	wrdreg $0x60  }
0xae: {  	[dreg:$0x2] =	wrdreg s24  }
0xaf: {  	[dreg:$0x3] =	wrdreg s2  }
0xb0: {  	[dreg:$0x4] =	wrdreg $0x9  }
0xb1: {  	_ =	task.clear_ibuf [dreg:s7], $0x5FFFF;
	_ =	strace $0x90000046  }
0xb2: {  	s29 =	simm.s32 $0x9;
	_ =	strace $0x80000048  }
0xb3: {  	_ =	swait.ge [sflag:s29], $0x1  }
0xb4: {  	[sflag:s29] =	ssyncadd.s32 $0xFFFFFFFF  }
0xb5: {  	_ =	strace $0x90000048  }
0xb6: {  	_ =	sfence  }
0xb7: {  	s30 =	sld [smem:$0x0];
	_ =	sdelay $0x2  }
0xb8: {  	s31 =	sshll.u32 s1, $0xD;
	s1 =	sshrl.u32 s1, $0x2  }
0xb9: {  	s3 =	sand.u32 $0x4000, s31;
	s1 =	sadd.s32 s1, s30  }
0xba: {  	s0 =	sor.u32 s3, s0;
	s1 =	sshll.u32 s1, $0x11  }
0xbb: {  	s0 =	sor.u32 s1, s0  }
0xbc: {  	s0 =	sadd.s32 $0x8F2B, s0  }
0xbd: {  	[sflag:s0] =	ssyncadd.remote.s32 $0x1  }
0xbe: {  	_ =	sfence.sel $0xFFFF  }
0xbf: {  	[dreg:$0x0] =	wrdreg $0xFFFFFFFF;
	(pc) =	sbr.abs _section_cstart, $3  }
0xc0: {  	[dreg:$0x1] =	wrdreg $0xFFFFFFFF  }
0xc1: {  	_ =	task.clear_ibuf [dreg:s7], $0x2FFFF;
	_ =	strace $0x9FFFFFFF  }
0xc2: {  	(tm) =	ssettm $0x7FFFFFFF  }
0xc3: {  	_ =	shalt  }
tec
execute0_lowered:
.L_overlay_start_1:
0x0: {  	(tag) =	ssettag $0x1  }
0x1: {  	s3 =	rddreg [dreg:$0x0];
	s1 =	srdreg.scid  }
0x2: {  	s0 =	stileid.u32;
	s5 =	rddreg [dreg:$0x1];
	s2 =	simm.s32 $0x0  }
0x3: {  	s11 =	simm.s32 $0x400;
	s4 =	sand.u32 $0x1, s1;
	s1 =	rddreg [dreg:$0x2]  }
0x4: {  	s12 =	simm.s32 $0x0;
	s6 =	sshll.u32 s0, $0x1;
	[smem:$0x7FF] =	sst s2  }
0x5: {  	s9 =	sshll.u32 s0, $0xE;
	s6 =	sor.u32 s4, s6;
	_ =	strace $0x80000047  }
0x6: {  	s9 =	sand.u32 $0x30000, s9;
	s4 =	ssub.s32 $0x2, s4;
	s7 =	sshll.u32 s6, $0x9  }
0x7: {  	s6 =	sshll.u32 s6, $0x4;
	s9 =	sadd.s32 s9, s3;
	s10 =	sshrl.u32 s4, $0x1  }
0x8: {  	s8 =	sadd.s32 s7, s3;
	s6 =	sand.u32 $0x70, s6;
	s3 =	sadd.s32 $0x6800, s3  }
0x9: {  	s10 =	ssub.s32 s4, s10;
	s5 =	sadd.s32 s5, s7;
	s6 =	sadd.s32 s6, s9  }
0xa: {  	s4 =	sadd.s32 $0x2800, s8;
	s7 =	smax.u32 s10, $0x1;
	s8 =	simm.s32 $0x1  }
0xb: {  	v0 =	vimm.s32 $0x0;
	v1 =	vlaneseq.u32;
	vm0 =	vcmask $0x3F3C;
	s9 =	simm.s32 $0x2000;
	s10 =	simm.s32 $0x80;
	s6 =	sadd.s32 $0x8800, s6  }
.LBB2_1:
0xc: {  	[tilespmem:s2], [sflag:$0x1] =	stream.linear.gather [hbm4b:s4+s2], $0x1000, $0x38;
	[tilespmem:$0x12080] =	vst v63  }
0xd: {  	_ =	swait.ge [sflag:s8], $0x1000  }
0xe: {  	[sflag:s8] =	ssyncset.done $0x0  }
0xf: {  	s13 =	simm.s32 $0x1000;
	[sflag:s8] =	ssyncadd.s32 $0xFFFFF000  }
0x10: {  	[tilespmem:s13], [sflag:$0x1] =	stream.linear.gather [hbm4b:s5+s2], $0x1000, $0x38;
	[tilespmem:$0x12080] =	vst v63  }
0x11: {  	_ =	swait.ge [sflag:s8], $0x1000  }
0x12: {  	[sflag:s8] =	ssyncset.done $0x0  }
0x13: {  	[sflag:s8] =	ssyncadd.s32 $0xFFFFF000  }
0x14: {  	[tilespmem:s9], [sflag:$0x1] =	stream.linear.gather [hbm4b:s3+s2], $0x10000, $0x38;
	[tilespmem:$0x12080] =	vst v63  }
0x15: {  	_ =	swait.ge [sflag:s8], $0x10000  }
0x16: {  	[sflag:s8] =	ssyncset.done $0x0  }
0x17: {  	[sflag:s8] =	ssyncadd.s32 $0xFFFF0000  }
0x18: {  	[tilespmem:$0x12010] =	vst v0  }
0x19: {  	v2 =	vld [tilespmem:s2+$0x0];
	_ =	sdelay $0x3  }
0x1a: {  	v3 =	vld [tilespmem:s13+$0x0]  }
0x1b: {  	v2 =	vshll.u32 v2, $0xC  }
0x1c: {  	v2 =	vadd.s32 s2, v2  }
0x1d: {  	v2 =	vadd.s32 v1, v2  }
0x1e: {  	v2 =	vxor.u32 $0x80000000, v2  }
0x1f: {  	(xrf1) =	vsort.ascd.msk.u32 $0xffff, v2, v3;
	_ =	sdelay $0xd  }
0x20: {  	v3, v2, _ =	vpop (xrf1)  }
0x21: {  	v4 =	vxor.u32 $0x80000000, v3;
	v5 =	vand.u32 $0xFFF, v3  }
0x22: {  	vm2 =	vgt.s32 v3, $0xFFFFFFFF;
	v6 =	vshra.s32 v4, $0x1F;
	vm1 =	vlt.s32 v4, $0x1  }
0x23: {  	v3 =	vshrl.u32 v6, $0x14;
	vm1 =	vmor vm2, vm1;
	vm2 =	vne.s32 v5, $0x0  }
0x24: {  	v3 =	vadd.s32 v3, v4;
	vm1 =	vmand vm2, vm1  }
0x25: {  	v3 =	vshra.s32 v3, $0xC;
	v4 =	vsel vm1, $0xFFFFFFFF, v0  }
0x26: {  	v3 =	vadd.s32 v4, v3  }
0x27: {  	[tilespmem:$0x12000] =	vst v3  }
0x28: {  	v4 =	vld [tilespmem:$0x12001];
	_ =	sdelay $0x4  }
0x29: {  	vm1 =	vne.s32 v3, v4  }
0x2a: {  	s14 =	simm.s32 $0x10;
	s15 =	simm.s32 $0x0;
	vm1 =	vmor vm1, vm0  }
.LBB2_2:
0x2b: {  	_ =	sdelay $0x4  }
0x2c: {  	p0 =	sne.s32 s14, $0xFF0;
	[tilespmem:v3+s9+$0x0] =	vst.idx.msk vm1, v2;
	s15 =	sadd.s32 $0x10, s15;
	s13 =	sadd.s32 $0x10, s13  }
0x2d: {  	s16 =	smov.u32 s14;
	s14 =	sadd.s32 $0x10, s14;
	v2 =	vld [tilespmem:s15+$0x0];
	_ =	sdelay $0x3  }
0x2e: {  	v3 =	vld [tilespmem:s13+$0x0]  }
0x2f: {  	v2 =	vshll.u32 v2, $0xC  }
0x30: {  	v2 =	vadd.s32 s16, v2  }
0x31: {  	v2 =	vadd.s32 v1, v2  }
0x32: {  	v2 =	vxor.u32 $0x80000000, v2  }
0x33: {  	(xrf1) =	vsort.ascd.msk.u32 $0xffff, v2, v3;
	_ =	sdelay $0xd  }
0x34: {  	v3, v2, _ =	vpop (xrf1)  }
0x35: {  	v4 =	vxor.u32 $0x80000000, v3;
	v5 =	vand.u32 $0xFFF, v3  }
0x36: {  	vm2 =	vgt.s32 v3, $0xFFFFFFFF;
	v6 =	vshra.s32 v4, $0x1F;
	vm1 =	vlt.s32 v4, $0x1  }
0x37: {  	v3 =	vshrl.u32 v6, $0x14;
	vm1 =	vmor vm2, vm1;
	vm2 =	vne.s32 v5, $0x0  }
0x38: {  	v3 =	vadd.s32 v3, v4;
	vm1 =	vmand vm2, vm1  }
0x39: {  	v3 =	vshra.s32 v3, $0xC;
	v4 =	vsel vm1, $0xFFFFFFFF, v0  }
0x3a: {  	v3 =	vadd.s32 v4, v3  }
0x3b: {  	[tilespmem:$0x12000] =	vst v3  }
0x3c: {  	v4 =	vld [tilespmem:$0x12001];
	_ =	sdelay $0x1  }
.Ltmp0:
0x3d: {  	(pc) =	sbr.rel @p0 .LBB2_2-.Ltmp0, $3  }
0x3e: {  	_ =	sdelay $0x1  }
0x3f: {  	vm1 =	vne.s32 v3, v4  }
0x40: {  	vm1 =	vmor vm1, vm0  }
0x41: {  	_ =	sdelay $0x2  }
0x42: {  	s12 =	sadd.s32 $0x1, s12  }
0x43: {  	p0 =	sne.s32 s12, s7  }
.Ltmp1:
0x44: {  	[tilespmem:v3+s9+$0x0] =	vst.idx.msk vm1, v2;
	(pc) =	sbr.rel @p0 .LBB2_1-.Ltmp1, $4  }
0x45: {  	[hbm4b:s6+s10] =	stream.strided.scatter [tilespmem:s9], [sflag:$0x1], $0x10000, s11, s10, $0x38;
	[tilespmem:$0x12080] =	vst v63  }
0x46: {  	_ =	swait.ge [sflag:s8], $0x10000  }
0x47: {  	[sflag:s8] =	ssyncset.done $0x0  }
0x48: {  	[sflag:s8] =	ssyncadd.s32 $0xFFFF0000  }
0x49: {  	_ =	sfence.sel $0x180000  }
0x4a: {  	[bflag:$0x0] =	sbarrier.arrive $0xFFFF  }
0x4b: {  	p0 =	sne.s32 s0, $0x0;
	_ =	strace $0x90000047  }
0x4c: {  	s0 =	sadd.s32 @!p0 $0x100000, s1;
	[bflag:$0x2] =	sbarrier.arrive $0xFFFF  }
0x4d: {  	[sflag:s0] =	ssyncadd.tile.s32 @!p0 $0x1;
	_ =	shalt  }
.Lfunc_end2:
_tile_overlayer_lowered:
.L_overlay_start_2:
0x4e: {  	(tag) =	ssettag $0x2  }
0x4f: {  	s0 =	rddreg [dreg:$0x0];
	s2 =	stileid.u32  }
0x50: {  	s1 =	rddreg [dreg:$0x1];
	p0 =	sne.s32 s2, $0x0  }
0x51: {  	s3 =	rddreg [dreg:$0x2];
	[bflag:$0x3] =	sbarrier.arrive $0xFFFF;
	s2 =	simm.s32 @!p0 $0x1C01  }
0x52: {  	[timem:s3], [sflag:s2] =	dma.local @!p0 [hbm:s0], s1  }
0x53: {  	s0 =	simm.s32 @!p0 $0x1  }
0x54: {  	_ =	swait.ge @!p0 [sflag:s0], s1  }
0x55: {  	s1 =	ssub.s32 @!p0 $0x0, s1;
	[sflag:s0] =	ssyncset.done @!p0 $0x0  }
0x56: {  	[sflag:s0] =	ssyncadd.s32 @!p0 s1  }
0x57: {  	[bflag:$0x3] =	sbarrier.arrive $0xFFFF  }
0x58: {  	_ =	shalt  }

// kernel: kernel.8.cloned.1.call-start
scs
__scs_entry_jumppad:
0x0: {  	(pc) =	sbr.rel $0x88, $3  }
0x1: {  	(tag) =	ssettag $0x0;
	lr =	simm.s32 $0x1  }
0x2: {  	[smem:$0x3F98] =	sst lr;
	_ =	strace $0xD0000000  }
0x3: {  	_ = 	snop  }
0x4: {  	_ = 	snop  }
0x5: {  	_ = 	snop  }
0x6: {  	_ = 	snop  }
0x7: {  	_ = 	snop  }
__scs_overlays_trampoline_lowered:
0x8: {  	[smem:$0x3FA7] =	sst s0  }
0x9: {  	[smem:$0x3FA8] =	sst s1  }
0xa: {  	[smem:$0x3FA9] =	sst s2  }
0xb: {  	[smem:$0x3FAA] =	sst s3  }
0xc: {  	[smem:$0x3FAB] =	sst s4  }
0xd: {  	[smem:$0x3FAC] =	sst s5  }
0xe: {  	[smem:$0x3FAD] =	sst s6  }
0xf: {  	[smem:$0x3FAE] =	sst s7  }
0x10: {  	[smem:$0x3FAF] =	sst s8  }
0x11: {  	[smem:$0x3FB0] =	sst s9;
	s0 =	simm.s32 @!p0 $0x0  }
0x12: {  	s1 =	sld [smem:$0x3F96];
	s0 =	simm.s32 @p0 $0x1  }
0x13: {  	[smem:$0x3FB1] =	sst s0;
	s0 =	simm.s32 @!p1 $0x0  }
0x14: {  	s2 =	sld [smem:$0x3F95];
	s0 =	simm.s32 @p1 $0x1  }
0x15: {  	[smem:$0x3FB2] =	sst s0;
	s0 =	simm.s32 @!p2 $0x0  }
0x16: {  	s3 =	sld [smem:$0x3FDB];
	s0 =	simm.s32 @p2 $0x1  }
0x17: {  	s4 =	simm.s32 $0x1BF5;
	[smem:$0x3FB4] =	sst s0  }
0x18: {  	s0 =	sld [smem:$0x3F97];
	_ =	swait.ge [sflag:s4], $0x0  }
0x19: {  	s7 =	sld [smem:$0x3F98]  }
0x1a: {  	s8 =	sadd.s32 $0xFFFFE003, lr  }
0x1b: {  	s9 =	sadd.s32 $0xFFFFFEF7, lr;
	s5 =	simm.s32 $0xFFFFFFFF;
	p2 =	slt.u32 s8, $0xFFFFF086  }
0x1c: {  	p1 =	slt.u32 s9, $0xF7A;
	s5 =	simm.s32 @!p2 $0x0  }
0x1d: {  	s5 =	simm.s32 @p1 $0x1;
	p0 =	seq.s32 s7, s2  }
0x1e: {  	s7 =	smul.u32 @!p0 $0xF7A, s2;
	p2 =	seq.s32 @!p0 s5, $0x0  }
0x1f: {  	s9 =	smul.u32 $0xF7A, s1;
	s8 =	simm.s32 @!p0 $0x1BF5;
	p2 =	por !p2, p0  }
0x20: {  	[sflag:s8] =	ssyncset.s32 @!p0 $0xFFFFF086;
	s6 =	sadd.s32 @!p0 s3, s7;
	s7 =	simm.s32 @!p0 $0x108  }
0x21: {  	s3 =	sadd.s32 s3, s9;
	s6 =	sadd.s32 @!p0 $0x88, s6;
	s7 =	simm.s32 @p2 $0x1082  }
0x22: {  	[simem:s7], [sflag:s8] =	dma.local @!p0 [hbm:s6], $0xF7A  }
0x23: {  	s9 =	sor.u32 $0xD0000000, s2;
	s6 =	simm.s32 $0x108;
	_ =	swait.ge @!p0 [sflag:s8], $0x0  }
0x24: {  	s3 =	sadd.s32 $0x88, s3;
	s6 =	simm.s32 @!p1 $0x1082;
	[sflag:s4] =	ssyncset.s32 $0xFFFFF086  }
0x25: {  	[simem:s6], [sflag:s4] =	dma.local [hbm:s3], $0xF7A  }
0x26: {  	[smem:$0x3F98] =	sst s1;
	(tag) =	ssettag s2;
	_ =	strace s9  }
0x27: {  	s1 =	sld [smem:$0x3FA8]  }
0x28: {  	s2 =	sld [smem:$0x3FA9]  }
0x29: {  	s4 =	sld [smem:$0x3FAB]  }
0x2a: {  	p0 =	seq.s32 s5, $0x0;
	s5 =	sld [smem:$0x3FAC]  }
0x2b: {  	s6 =	sld [smem:$0x3FAD]  }
0x2c: {  	s7 =	sld [smem:$0x3FAE]  }
0x2d: {  	s3 =	simm.s32 $0x108;
	s8 =	sld [smem:$0x3FAF]  }
0x2e: {  	s3 =	simm.s32 @!p0 $0x1082;
	s9 =	sld [smem:$0x3FB0]  }
0x2f: {  	lr =	sadd.s32 s0, s3;
	s0 =	sld [smem:$0x3FA7]  }
0x30: {  	s3 =	sld [smem:$0x3FAA]  }
0x31: {  	[smem:$0x3FB3] =	sst s10  }
0x32: {  	s10 =	sld [smem:$0x3FB1];
	_ =	sdelay $0x3  }
0x33: {  	p0 =	seq.s32 s10, $0x1;
	s10 =	sld [smem:$0x3FB3];
	_ =	sdelay $0x3  }
0x34: {  	[smem:$0x3FB3] =	sst s10  }
0x35: {  	s10 =	sld [smem:$0x3FB2];
	_ =	sdelay $0x3  }
0x36: {  	p1 =	seq.s32 s10, $0x1;
	s10 =	sld [smem:$0x3FB3];
	_ =	sdelay $0x3  }
0x37: {  	[smem:$0x3FB3] =	sst s10  }
0x38: {  	s10 =	sld [smem:$0x3FB4]  }
0x39: {  	_ = 	snop;
	(pc) =	sbr.ind lr, $3  }
0x3a: {  	_ = 	snop  }
0x3b: {  	_ = 	snop  }
0x3c: {  	p2 =	seq.s32 s10, $0x1;
	s10 =	sld [smem:$0x3FB3]  }
0x3d: {  	_ =	shalt  }
0x3e: {  	_ =	shalt  }
0x3f: {  	_ =	shalt  }
0x40: {  	_ =	shalt  }
0x41: {  	_ =	shalt  }
0x42: {  	_ =	shalt  }
0x43: {  	_ =	shalt  }
0x44: {  	_ =	shalt  }
0x45: {  	_ =	shalt  }
0x46: {  	_ =	shalt  }
0x47: {  	_ =	shalt  }
0x48: {  	_ =	shalt  }
0x49: {  	_ =	shalt  }
0x4a: {  	_ =	shalt  }
0x4b: {  	_ =	shalt  }
0x4c: {  	_ =	shalt  }
0x4d: {  	_ =	shalt  }
0x4e: {  	_ =	shalt  }
0x4f: {  	_ =	shalt  }
0x50: {  	_ =	shalt  }
0x51: {  	_ =	shalt  }
0x52: {  	_ =	shalt  }
0x53: {  	_ =	shalt  }
0x54: {  	_ =	shalt  }
0x55: {  	_ =	shalt  }
0x56: {  	_ =	shalt  }
0x57: {  	_ =	shalt  }
0x58: {  	_ =	shalt  }
0x59: {  	_ =	shalt  }
0x5a: {  	_ =	shalt  }
0x5b: {  	_ =	shalt  }
0x5c: {  	_ =	shalt  }
0x5d: {  	_ =	shalt  }
0x5e: {  	_ =	shalt  }
0x5f: {  	_ =	shalt  }
0x60: {  	_ =	shalt  }
0x61: {  	_ =	shalt  }
0x62: {  	_ =	shalt  }
0x63: {  	_ =	shalt  }
0x64: {  	_ =	shalt  }
0x65: {  	_ =	shalt  }
0x66: {  	_ =	shalt  }
0x67: {  	_ =	shalt  }
0x68: {  	_ =	shalt  }
0x69: {  	_ =	shalt  }
0x6a: {  	_ =	shalt  }
0x6b: {  	_ =	shalt  }
0x6c: {  	_ =	shalt  }
0x6d: {  	_ =	shalt  }
0x6e: {  	_ =	shalt  }
0x6f: {  	_ =	shalt  }
0x70: {  	_ =	shalt  }
0x71: {  	_ =	shalt  }
0x72: {  	_ =	shalt  }
0x73: {  	_ =	shalt  }
0x74: {  	_ =	shalt  }
0x75: {  	_ =	shalt  }
0x76: {  	_ =	shalt  }
0x77: {  	_ =	shalt  }
0x78: {  	_ =	shalt  }
0x79: {  	_ =	shalt  }
0x7a: {  	_ =	shalt  }
0x7b: {  	_ =	shalt  }
0x7c: {  	_ =	shalt  }
0x7d: {  	_ =	shalt  }
0x7e: {  	_ =	shalt  }
0x7f: {  	_ =	shalt  }
0x80: {  	_ =	shalt  }
0x81: {  	_ =	shalt  }
0x82: {  	_ =	shalt  }
0x83: {  	_ =	shalt  }
0x84: {  	_ =	shalt  }
0x85: {  	_ =	shalt  }
0x86: {  	_ =	shalt  }
0x87: {  	_ =	shalt  }
.Lfunc_end0:
.L_simem_size_0:
called_computation.1_lowered:
.L_overlay_start_0:
0x88: {  	s2 =	sld [smem:$0x3FD9]  }
0x89: {  	s3 =	sld [smem:$0x3FFE];
	_ =	sdelay $0x1  }
0x8a: {  	s1 =	srdreg.scid  }
0x8b: {  	s0 =	sand.u32 $0x1, s1  }
0x8c: {  	s17 =	sshll.u32 s0, $0xA;
	s2 =	sadd.s32 s3, s2  }
0x8d: {  	s2 =	sadd.s32 s2, s17  }
0x8e: {  	[smem:$0x3FBF] =	sst s2  }
0x8f: {  	_ = 	snop  }
0x90: {  	s2 =	sld [smem:$0x3FD0];
	(tm) =	ssettm $0x1  }
0x91: {  	s18 =	sld [smem:$0x3FFB];
	_ =	sdelay $0x3  }
0x92: {  	_ =	strace s18  }
0x93: {  	s3 =	sld [smem:$0x3FFC];
	_ =	sdelay $0x3  }
0x94: {  	_ =	strace s3  }
0x95: {  	s3 =	sld [smem:$0x3FFD];
	_ =	sdelay $0x3  }
0x96: {  	_ =	strace s3  }
0x97: {  	_ =	strace $0x8FFFFFFF  }
0x98: {  	s19 =	sld [smem:$0x3FDB];
	_ =	sdelay $0x1  }
0x99: {  	s4 =	simm.s32 $_scs_section_size  }
0x9a: {  	s5 =	simm.s32 $_size__tile_overlayer_lowered;
	s6 =	simm.s32 $_tile_overlayer_lowered  }
0x9b: {  	s22 =	simm.s32 $0x1BFF;
	s21 =	sshll.u32 s6, $0x1;
	s3 =	sadd.s32 s4, s19  }
0x9c: {  	s7 =	simm.s32 $0x0;
	s20 =	sshll.u32 s5, $0x1;
	s5 =	sadd.s32 s21, s3  }
0x9d: {  	[timem:s7], [sflag:s22] =	dma.local [hbm:s5], s20  }
0x9e: {  	_ =	swait.ge [sflag:s22], s20  }
0x9f: {  	s4 =	ssub.s32 $0x0, s20;
	[sflag:s22] =	ssyncset.done $0x0  }
0xa0: {  	[sflag:s22] =	ssyncadd.s32 s4;
	_ =	sdelay $0x1  }
0xa1: {  	s23 =	simm.s32 $0x1B8B  }
0xa2: {  	_ =	swait.ge [sflag:s23], $0x1  }
0xa3: {  	[sflag:s23] =	ssyncset.done $0x0  }
0xa4: {  	s25 =	simm.s32 $0x1B8E;
	s24 =	sld [smem:$0x3FFE];
	[sflag:s23] =	ssyncadd.s32 $0xFFFFFFFF  }
0xa5: {  	s26 =	simm.s32 $execute0_lowered;
	[smem:$0x3FD2] =	sst s25  }
0xa6: {  	s5 =	sshll.u32 s26, $0x1;
	_ =	strace $0x80000049;
	[dreg:$0x1] =	wrdreg $0xFFFFFFFF  }
0xa7: {  	s28 =	simm.s32 $_size_execute0_lowered;
	s3 =	sadd.s32 s3, s5;
	[dreg:$0x0] =	wrdreg $0x0  }
0xa8: {  	s5 =	sshll.u32 s28, $0x1;
	[dreg:$0x2] =	wrdreg s3  }
0xa9: {  	[dreg:$0x3] =	wrdreg s5  }
0xaa: {  	[dreg:$0x4] =	wrdreg $0xC0  }
0xab: {  	_ =	task [dreg:s7], $0x5FFFF  }
0xac: {  	[dreg:$0x1] =	wrdreg $0xFFFFFFFF  }
0xad: {  	[dreg:$0x0] =	wrdreg $0x60  }
0xae: {  	[dreg:$0x2] =	wrdreg s24  }
0xaf: {  	[dreg:$0x3] =	wrdreg s2  }
0xb0: {  	[dreg:$0x4] =	wrdreg $0x9  }
0xb1: {  	_ =	task.clear_ibuf [dreg:s7], $0x5FFFF;
	_ =	strace $0x90000049  }
0xb2: {  	s29 =	simm.s32 $0x9;
	_ =	strace $0x8000004B  }
0xb3: {  	_ =	swait.ge [sflag:s29], $0x1  }
0xb4: {  	[sflag:s29] =	ssyncadd.s32 $0xFFFFFFFF  }
0xb5: {  	_ =	strace $0x9000004B  }
0xb6: {  	_ =	sfence  }
0xb7: {  	s30 =	sld [smem:$0x0];
	_ =	sdelay $0x2  }
0xb8: {  	s31 =	sshll.u32 s1, $0xD;
	s1 =	sshrl.u32 s1, $0x2  }
0xb9: {  	s3 =	sand.u32 $0x4000, s31;
	s1 =	sadd.s32 s1, s30  }
0xba: {  	s0 =	sor.u32 s3, s0;
	s1 =	sshll.u32 s1, $0x11  }
0xbb: {  	s0 =	sor.u32 s1, s0  }
0xbc: {  	s0 =	sadd.s32 $0x8F2B, s0  }
0xbd: {  	[sflag:s0] =	ssyncadd.remote.s32 $0x1  }
0xbe: {  	_ =	sfence.sel $0xFFFF  }
0xbf: {  	[dreg:$0x0] =	wrdreg $0xFFFFFFFF;
	(pc) =	sbr.abs _section_cstart, $3  }
0xc0: {  	[dreg:$0x1] =	wrdreg $0xFFFFFFFF  }
0xc1: {  	_ =	task.clear_ibuf [dreg:s7], $0x2FFFF;
	_ =	strace $0x9FFFFFFF  }
0xc2: {  	(tm) =	ssettm $0x7FFFFFFF  }
0xc3: {  	_ =	shalt  }
tec
execute0_lowered:
.L_overlay_start_1:
0x0: {  	(tag) =	ssettag $0x1  }
0x1: {  	s0 =	rddreg [dreg:$0x0]  }
0x2: {  	s2 =	rddreg [dreg:$0x1]  }
0x3: {  	s1 =	srdreg.scid;
	s7 =	stileid.u32;
	s3 =	simm.s32 $0x0  }
0x4: {  	s10 =	simm.s32 $0x4;
	s11 =	simm.s32 $0x10000;
	s12 =	simm.s32 $0x11000  }
0x5: {  	s16 =	simm.s32 $0x13000;
	s17 =	simm.s32 $0x13800;
	s18 =	simm.s32 $0x14000  }
0x6: {  	s19 =	simm.s32 $0x14800;
	s20 =	simm.s32 $0x15000;
	s21 =	simm.s32 $0x15800  }
0x7: {  	s22 =	simm.s32 $0x16000;
	s23 =	simm.s32 $0x16800;
	s28 =	simm.s32 $0x18800  }
0x8: {  	s29 =	simm.s32 $0x1;
	s30 =	simm.s32 $0x3;
	s31 =	simm.s32 $0x2  }
0x9: {  	s1 =	sand.u32 $0x1, s1;
	s4 =	sshll.u32 s7, $0xC;
	[smem:$0x7FF] =	sst s3  }
0xa: {  	s24 =	sshll.u32 s7, $0x11;
	s5 =	sshll.u32 s1, $0xB;
	_ =	strace $0x8000004A  }
0xb: {  	s25 =	ssub.s32 $0x2, s1;
	s1 =	sshll.u32 s1, $0x10;
	s4 =	sor.u32 s5, s4  }
0xc: {  	s26 =	sshrl.u32 s25, $0x1;
	s5 =	sadd.s32 s4, s0;
	s4 =	sshrl.u32 s4, $0x3  }
0xd: {  	s7 =	ssub.s32 s25, s26;
	s25 =	simm.s32 $0x17800;
	s26 =	simm.s32 $0x18000  }
0xe: {  	v2 =	vlaneseq.u32;
	s6 =	sadd.s32 s4, s0;
	s0 =	sadd.s32 s24, s0;
	s4 =	sadd.s32 $0x8800, s5  }
0xf: {  	vm0 =	vmmov $0xffff;
	v1 =	vshrl.u32 v2, $0x3;
	s24 =	simm.s32 $0x17000;
	s0 =	sadd.s32 s1, s0;
	s5 =	sadd.s32 $0x2800, s6  }
0x10: {  	v0 =	vand.u32 $0x7, v2;
	v2 =	vor.u32 $0x8, v2;
	v1 =	vmul.u32 $0x8, v1;
	s6 =	smax.u32 s7, $0x1;
	s7 =	sadd.s32 $0x48800, s0;
	s0 =	simm.s32 $0x0  }
.LBB2_1:
0x11: {  	s1 =	simm.s32 $0x4000;
	s8 =	simm.s32 $0x80000  }
0x12: {  	[tilespmem:s3], [sflag:$0x4] =	stream.strided.gather [hbm4b:s4+s1], $0x10000, s8, s1, $0x38;
	[tilespmem:$0x19000] =	vst v63  }
0x13: {  	_ =	swait.ge [sflag:s10], $0x10000  }
0x14: {  	s13 =	sand.u32 $0x70, s3;
	s14 =	sand.u32 $0x3C00, s3;
	[sflag:s10] =	ssyncset.done $0x0  }
0x15: {  	s1 =	sor.u32 s13, s14;
	[sflag:s10] =	ssyncadd.s32 $0xFFFF0000  }
0x16: {  	v3 =	vld [tilespmem:s1+$0x0]  }
0x17: {  	v4 =	vld [tilespmem:s1+$0x80]  }
0x18: {  	v5 =	vld [tilespmem:s1+$0x100]  }
0x19: {  	v6 =	vld [tilespmem:s1+$0x180]  }
0x1a: {  	v7 =	vld [tilespmem:s1+$0x200]  }
0x1b: {  	v9 =	vld [tilespmem:s1+$0x280];
	v8 =	vshra.s32 v3, $0x1F  }
0x1c: {  	v47 =	vld [tilespmem:s1+$0x300];
	vm1 =	vlt.s32 v4, $0x0;
	v3 =	vor.u32 v8, v3  }
0x1d: {  	v3 =	vsel vm1, v3, v4;
	vm1 =	vlt.s32 v5, $0x0;
	v4 =	vld [tilespmem:s1+$0x380]  }
0x1e: {  	v3 =	vsel vm1, v3, v5;
	vm1 =	vlt.s32 v6, $0x0;
	v5 =	vld [tilespmem:s1+$0x4000]  }
0x1f: {  	v48 =	vld [tilespmem:s1+$0x4080];
	v3 =	vsel vm1, v3, v6;
	vm1 =	vlt.s32 v7, $0x0  }
0x20: {  	v49 =	vld [tilespmem:s1+$0x4100];
	v3 =	vsel vm1, v3, v7;
	vm1 =	vlt.s32 v9, $0x0  }
0x21: {  	v50 =	vld [tilespmem:s1+$0x4180];
	v3 =	vsel vm1, v3, v9;
	vm1 =	vlt.s32 v47, $0x0  }
0x22: {  	v51 =	vld [tilespmem:s1+$0x4200];
	v3 =	vsel vm1, v3, v47;
	vm1 =	vlt.s32 v4, $0x0  }
0x23: {  	v3 =	vsel vm1, v3, v4;
	vm1 =	vlt.s32 v5, $0x0;
	v4 =	vld [tilespmem:s1+$0x4280]  }
0x24: {  	v3 =	vsel vm1, v3, v5;
	vm1 =	vlt.s32 v48, $0x0;
	v5 =	vld [tilespmem:s1+$0x4300]  }
0x25: {  	v52 =	vld [tilespmem:s1+$0x4380];
	v3 =	vsel vm1, v3, v48;
	vm1 =	vlt.s32 v49, $0x0  }
0x26: {  	v53 =	vld [tilespmem:s1+$0x8000];
	v3 =	vsel vm1, v3, v49;
	vm1 =	vlt.s32 v50, $0x0  }
0x27: {  	v54 =	vld [tilespmem:s1+$0x8080];
	v3 =	vsel vm1, v3, v50;
	vm1 =	vlt.s32 v51, $0x0  }
0x28: {  	v55 =	vld [tilespmem:s1+$0x8100];
	v3 =	vsel vm1, v3, v51;
	vm1 =	vlt.s32 v4, $0x0  }
0x29: {  	v3 =	vsel vm1, v3, v4;
	vm1 =	vlt.s32 v5, $0x0;
	v4 =	vld [tilespmem:s1+$0x8180]  }
0x2a: {  	v3 =	vsel vm1, v3, v5;
	vm1 =	vlt.s32 v52, $0x0;
	v5 =	vld [tilespmem:s1+$0x8200]  }
0x2b: {  	v56 =	vld [tilespmem:s1+$0x8280];
	v3 =	vsel vm1, v3, v52;
	vm1 =	vlt.s32 v53, $0x0  }
0x2c: {  	v57 =	vld [tilespmem:s1+$0x8300];
	v3 =	vsel vm1, v3, v53;
	vm1 =	vlt.s32 v54, $0x0  }
0x2d: {  	v58 =	vld [tilespmem:s1+$0x8380];
	v3 =	vsel vm1, v3, v54;
	vm1 =	vlt.s32 v55, $0x0  }
0x2e: {  	v59 =	vld [tilespmem:s1+$0xC000];
	v3 =	vsel vm1, v3, v55;
	vm1 =	vlt.s32 v4, $0x0  }
0x2f: {  	v3 =	vsel vm1, v3, v4;
	vm1 =	vlt.s32 v5, $0x0;
	v4 =	vld [tilespmem:s1+$0xC080]  }
0x30: {  	v3 =	vsel vm1, v3, v5;
	vm1 =	vlt.s32 v56, $0x0;
	v5 =	vld [tilespmem:s1+$0xC100]  }
0x31: {  	v60 =	vld [tilespmem:s1+$0xC180];
	v3 =	vsel vm1, v3, v56;
	vm1 =	vlt.s32 v57, $0x0  }
0x32: {  	v61 =	vld [tilespmem:s1+$0xC200];
	v3 =	vsel vm1, v3, v57;
	vm1 =	vlt.s32 v58, $0x0  }
0x33: {  	v62 =	vld [tilespmem:s1+$0xC280];
	v3 =	vsel vm1, v3, v58;
	vm1 =	vlt.s32 v59, $0x0  }
0x34: {  	v63 =	vld [tilespmem:s1+$0xC300];
	v3 =	vsel vm1, v3, v59;
	vm1 =	vlt.s32 v4, $0x0  }
0x35: {  	v3 =	vsel vm1, v3, v4;
	vm1 =	vlt.s32 v5, $0x0;
	v4 =	vld [tilespmem:s1+$0xC380]  }
0x36: {  	v3 =	vsel vm1, v3, v5;
	vm1 =	vlt.s32 v60, $0x0  }
0x37: {  	v3 =	vsel vm1, v3, v60;
	vm1 =	vlt.s32 v61, $0x0  }
0x38: {  	v3 =	vsel vm1, v3, v61;
	vm1 =	vlt.s32 v62, $0x0  }
0x39: {  	v3 =	vsel vm1, v3, v62;
	vm1 =	vlt.s32 v63, $0x0  }
0x3a: {  	v3 =	vsel vm1, v3, v63;
	vm1 =	vlt.s32 v4, $0x0  }
0x3b: {  	s15 =	simm.s32 $0x10;
	s9 =	simm.s32 $0x80;
	v3 =	vsel vm1, v3, v4  }
0x3c: {  	s14 =	sand.u32 $0x70, s15;
	s15 =	sand.u32 $0x3C00, s9;
	vm1 =	vgt.s32 v3, $0x0  }
0x3d: {  	s13 =	simm.s32 $0x20;
	s8 =	simm.s32 $0x10000;
	s1 =	simm.s32 $0x10800;
	[tilespmem:s11+$0x0] =	vst v3;
	v3 =	vnsel vm1, $0x0, v3  }
.LBB2_2:
0x3e: {  	p0 =	sne.s32 s13, $0x7F0;
	s14 =	sor.u32 s14, s15;
	[tilespmem:s1+$0x0] =	vst v3  }
0x3f: {  	v3 =	vld [tilespmem:s14+$0x0]  }
0x40: {  	v4 =	vld [tilespmem:s14+$0x80]  }
0x41: {  	v5 =	vld [tilespmem:s14+$0x100]  }
0x42: {  	v6 =	vld [tilespmem:s14+$0x180]  }
0x43: {  	v7 =	vld [tilespmem:s14+$0x200]  }
0x44: {  	v8 =	vshra.s32 v3, $0x1F;
	v9 =	vld [tilespmem:s14+$0x280]  }
0x45: {  	v3 =	vor.u32 v8, v3;
	vm1 =	vlt.s32 v4, $0x0;
	v8 =	vld [tilespmem:s14+$0x300]  }
0x46: {  	v3 =	vsel vm1, v3, v4;
	vm1 =	vlt.s32 v5, $0x0;
	v4 =	vld [tilespmem:s14+$0x380]  }
0x47: {  	v3 =	vsel vm1, v3, v5;
	vm1 =	vlt.s32 v6, $0x0;
	v5 =	vld [tilespmem:s14+$0x4000]  }
0x48: {  	v3 =	vsel vm1, v3, v6;
	vm1 =	vlt.s32 v7, $0x0;
	v6 =	vld [tilespmem:s14+$0x4080]  }
0x49: {  	v3 =	vsel vm1, v3, v7;
	vm1 =	vlt.s32 v9, $0x0;
	v7 =	vld [tilespmem:s14+$0x4100]  }
0x4a: {  	v3 =	vsel vm1, v3, v9;
	vm1 =	vlt.s32 v8, $0x0;
	v9 =	vld [tilespmem:s14+$0x4180]  }
0x4b: {  	v3 =	vsel vm1, v3, v8;
	vm1 =	vlt.s32 v4, $0x0;
	v8 =	vld [tilespmem:s14+$0x4200]  }
0x4c: {  	v3 =	vsel vm1, v3, v4;
	vm1 =	vlt.s32 v5, $0x0;
	v4 =	vld [tilespmem:s14+$0x4280]  }
0x4d: {  	v3 =	vsel vm1, v3, v5;
	vm1 =	vlt.s32 v6, $0x0;
	v5 =	vld [tilespmem:s14+$0x4300]  }
0x4e: {  	v3 =	vsel vm1, v3, v6;
	vm1 =	vlt.s32 v7, $0x0;
	v6 =	vld [tilespmem:s14+$0x4380]  }
0x4f: {  	v3 =	vsel vm1, v3, v7;
	vm1 =	vlt.s32 v9, $0x0;
	v7 =	vld [tilespmem:s14+$0x8000]  }
0x50: {  	v3 =	vsel vm1, v3, v9;
	vm1 =	vlt.s32 v8, $0x0;
	v9 =	vld [tilespmem:s14+$0x8080]  }
0x51: {  	v3 =	vsel vm1, v3, v8;
	vm1 =	vlt.s32 v4, $0x0;
	v8 =	vld [tilespmem:s14+$0x8100]  }
0x52: {  	v3 =	vsel vm1, v3, v4;
	vm1 =	vlt.s32 v5, $0x0;
	v4 =	vld [tilespmem:s14+$0x8180]  }
0x53: {  	v3 =	vsel vm1, v3, v5;
	vm1 =	vlt.s32 v6, $0x0;
	v5 =	vld [tilespmem:s14+$0x8200]  }
0x54: {  	v3 =	vsel vm1, v3, v6;
	vm1 =	vlt.s32 v7, $0x0;
	v6 =	vld [tilespmem:s14+$0x8280]  }
0x55: {  	v3 =	vsel vm1, v3, v7;
	vm1 =	vlt.s32 v9, $0x0;
	v7 =	vld [tilespmem:s14+$0x8300]  }
0x56: {  	v3 =	vsel vm1, v3, v9;
	vm1 =	vlt.s32 v8, $0x0;
	v9 =	vld [tilespmem:s14+$0x8380]  }
0x57: {  	v3 =	vsel vm1, v3, v8;
	vm1 =	vlt.s32 v4, $0x0;
	v8 =	vld [tilespmem:s14+$0xC000]  }
0x58: {  	v3 =	vsel vm1, v3, v4;
	vm1 =	vlt.s32 v5, $0x0;
	v4 =	vld [tilespmem:s14+$0xC080]  }
0x59: {  	v3 =	vsel vm1, v3, v5;
	vm1 =	vlt.s32 v6, $0x0;
	v5 =	vld [tilespmem:s14+$0xC100]  }
0x5a: {  	v3 =	vsel vm1, v3, v6;
	vm1 =	vlt.s32 v7, $0x0;
	v6 =	vld [tilespmem:s14+$0xC180]  }
0x5b: {  	v3 =	vsel vm1, v3, v7;
	vm1 =	vlt.s32 v9, $0x0;
	v7 =	vld [tilespmem:s14+$0xC200]  }
0x5c: {  	v3 =	vsel vm1, v3, v9;
	vm1 =	vlt.s32 v8, $0x0;
	v9 =	vld [tilespmem:s14+$0xC280]  }
0x5d: {  	v3 =	vsel vm1, v3, v8;
	vm1 =	vlt.s32 v4, $0x0;
	v8 =	vld [tilespmem:s14+$0xC300]  }
0x5e: {  	v3 =	vsel vm1, v3, v4;
	vm1 =	vlt.s32 v5, $0x0;
	v4 =	vld [tilespmem:s14+$0xC380]  }
0x5f: {  	v3 =	vsel vm1, v3, v5;
	vm1 =	vlt.s32 v6, $0x0  }
0x60: {  	v3 =	vsel vm1, v3, v6;
	vm1 =	vlt.s32 v7, $0x0  }
0x61: {  	v3 =	vsel vm1, v3, v7;
	vm1 =	vlt.s32 v9, $0x0  }
.Ltmp0:
0x62: {  	v3 =	vsel vm1, v3, v9;
	vm1 =	vlt.s32 v8, $0x0;
	(pc) =	sbr.rel @p0 .LBB2_2-.Ltmp0, $4  }
0x63: {  	v3 =	vsel vm1, v3, v8;
	vm1 =	vlt.s32 v4, $0x0  }
0x64: {  	s8 =	sadd.s32 $0x10, s8;
	v3 =	vsel vm1, v3, v4  }
0x65: {  	s9 =	sadd.s32 $0x80, s9;
	s1 =	sadd.s32 $0x10, s1;
	[tilespmem:s8+$0x0] =	vst v3;
	vm1 =	vgt.s32 v3, $0x0  }
0x66: {  	s15 =	sand.u32 $0x3C00, s9;
	s14 =	sand.u32 $0x70, s13;
	s13 =	sadd.s32 $0x10, s13;
	v3 =	vnsel vm1, $0x0, v3  }
0x67: {  	s9 =	sor.u32 s14, s15;
	[tilespmem:s1+$0x0] =	vst v3  }
0x68: {  	v3 =	vld [tilespmem:s9+$0x0]  }
0x69: {  	v4 =	vld [tilespmem:s9+$0x80]  }
0x6a: {  	v5 =	vld [tilespmem:s9+$0x100]  }
0x6b: {  	v6 =	vld [tilespmem:s9+$0x180]  }
0x6c: {  	v7 =	vld [tilespmem:s9+$0x200]  }
0x6d: {  	v9 =	vld [tilespmem:s9+$0x280];
	v8 =	vshra.s32 v3, $0x1F  }
0x6e: {  	v34 =	vld [tilespmem:s9+$0x300];
	vm1 =	vlt.s32 v4, $0x0;
	v3 =	vor.u32 v8, v3  }
0x6f: {  	v35 =	vld [tilespmem:s9+$0x380];
	v3 =	vsel vm1, v3, v4;
	vm1 =	vlt.s32 v5, $0x0  }
0x70: {  	v36 =	vld [tilespmem:s9+$0x4000];
	v3 =	vsel vm1, v3, v5;
	vm1 =	vlt.s32 v6, $0x0  }
0x71: {  	v37 =	vld [tilespmem:s9+$0x4080];
	v3 =	vsel vm1, v3, v6;
	vm1 =	vlt.s32 v7, $0x0  }
0x72: {  	v38 =	vld [tilespmem:s9+$0x4100];
	v3 =	vsel vm1, v3, v7;
	vm1 =	vlt.s32 v9, $0x0  }
0x73: {  	v39 =	vld [tilespmem:s9+$0x4180];
	v3 =	vsel vm1, v3, v9;
	vm1 =	vlt.s32 v34, $0x0  }
0x74: {  	v40 =	vld [tilespmem:s9+$0x4200];
	v3 =	vsel vm1, v3, v34;
	vm1 =	vlt.s32 v35, $0x0  }
0x75: {  	v41 =	vld [tilespmem:s9+$0x4280];
	v3 =	vsel vm1, v3, v35;
	vm1 =	vlt.s32 v36, $0x0  }
0x76: {  	v42 =	vld [tilespmem:s9+$0x4300];
	v3 =	vsel vm1, v3, v36;
	vm1 =	vlt.s32 v37, $0x0  }
0x77: {  	v43 =	vld [tilespmem:s9+$0x4380];
	v3 =	vsel vm1, v3, v37;
	vm1 =	vlt.s32 v38, $0x0  }
0x78: {  	v44 =	vld [tilespmem:s9+$0x8000];
	v3 =	vsel vm1, v3, v38;
	vm1 =	vlt.s32 v39, $0x0  }
0x79: {  	v45 =	vld [tilespmem:s9+$0x8080];
	v3 =	vsel vm1, v3, v39;
	vm1 =	vlt.s32 v40, $0x0  }
0x7a: {  	v46 =	vld [tilespmem:s9+$0x8100];
	v3 =	vsel vm1, v3, v40;
	vm1 =	vlt.s32 v41, $0x0  }
0x7b: {  	v47 =	vld [tilespmem:s9+$0x8180];
	v3 =	vsel vm1, v3, v41;
	vm1 =	vlt.s32 v42, $0x0  }
0x7c: {  	v48 =	vld [tilespmem:s9+$0x8200];
	v3 =	vsel vm1, v3, v42;
	vm1 =	vlt.s32 v43, $0x0  }
0x7d: {  	v49 =	vld [tilespmem:s9+$0x8280];
	v3 =	vsel vm1, v3, v43;
	vm1 =	vlt.s32 v44, $0x0  }
0x7e: {  	v50 =	vld [tilespmem:s9+$0x8300];
	v3 =	vsel vm1, v3, v44;
	vm1 =	vlt.s32 v45, $0x0  }
0x7f: {  	v51 =	vld [tilespmem:s9+$0x8380];
	v3 =	vsel vm1, v3, v45;
	vm1 =	vlt.s32 v46, $0x0  }
0x80: {  	v52 =	vld [tilespmem:s9+$0xC000];
	v3 =	vsel vm1, v3, v46;
	vm1 =	vlt.s32 v47, $0x0  }
0x81: {  	v53 =	vld [tilespmem:s9+$0xC080];
	v3 =	vsel vm1, v3, v47;
	vm1 =	vlt.s32 v48, $0x0  }
0x82: {  	v54 =	vld [tilespmem:s9+$0xC100];
	v3 =	vsel vm1, v3, v48;
	vm1 =	vlt.s32 v49, $0x0  }
0x83: {  	v55 =	vld [tilespmem:s9+$0xC180];
	v3 =	vsel vm1, v3, v49;
	vm1 =	vlt.s32 v50, $0x0  }
0x84: {  	v56 =	vld [tilespmem:s9+$0xC200];
	v3 =	vsel vm1, v3, v50;
	vm1 =	vlt.s32 v51, $0x0  }
0x85: {  	v57 =	vld [tilespmem:s9+$0xC280];
	v3 =	vsel vm1, v3, v51;
	vm1 =	vlt.s32 v52, $0x0  }
0x86: {  	v58 =	vld [tilespmem:s9+$0xC300];
	v3 =	vsel vm1, v3, v52;
	vm1 =	vlt.s32 v53, $0x0  }
0x87: {  	v59 =	vld [tilespmem:s9+$0xC380];
	v3 =	vsel vm1, v3, v53;
	vm1 =	vlt.s32 v54, $0x0  }
0x88: {  	v3 =	vsel vm1, v3, v54;
	vm1 =	vlt.s32 v55, $0x0  }
0x89: {  	v3 =	vsel vm1, v3, v55;
	vm1 =	vlt.s32 v56, $0x0  }
0x8a: {  	v3 =	vsel vm1, v3, v56;
	vm1 =	vlt.s32 v57, $0x0  }
0x8b: {  	v3 =	vsel vm1, v3, v57;
	vm1 =	vlt.s32 v58, $0x0  }
0x8c: {  	v3 =	vsel vm1, v3, v58;
	vm1 =	vlt.s32 v59, $0x0  }
0x8d: {  	v3 =	vsel vm1, v3, v59  }
0x8e: {  	s8 =	sadd.s32 $0x10, s8;
	vm1 =	vgt.s32 v3, $0x0  }
0x8f: {  	s9 =	sadd.s32 $0x10, s1;
	[tilespmem:s8+$0x0] =	vst v3;
	v3 =	vnsel vm1, $0x0, v3  }
0x90: {  	s1 =	simm.s32 $0x0;
	[tilespmem:s9+$0x0] =	vst v3  }
0x91: {  	[hbm4b:s5+s1] =	stream.linear.scatter [tilespmem:s11], [sflag:$0x4], $0x800, $0x38;
	[tilespmem:$0x19000] =	vst v63  }
0x92: {  	_ =	swait.ge [sflag:s10], $0x800  }
0x93: {  	[sflag:s10] =	ssyncset.done $0x0  }
0x94: {  	[sflag:s10] =	ssyncadd.s32 $0xFFFFF800  }
0x95: {  	v3 =	vld [tilespmem:$0x10800];
	_ =	sdelay $0x4  }
0x96: {  	v60 =	vshll.u32 v3, $0x1  }
0x97: {  	v3 =	vand.u32 $0x7, v3;
	v4 =	vand.u32 $0xFFFFFFF0, v60  }
0x98: {  	v3 =	vor.u32 v3, v4  }
0x99: {  	v4 =	vperm.xlane v3, v0;
	_ =	sdelay $0x1  }
0x9a: {  	v3 =	vperm.xlane v3, v2;
	v4 =	vadd.s32 v1, v4;
	_ =	sdelay $0x1  }
0x9b: {  	v3 =	vadd.s32 v1, v3;
	_ =	sdelay $0x2  }
0x9c: {  	[tilespmem:s12], [sflag:$0x1] =	stream.indirect_vreg.gather [hbm4b:s2+s1], $0x80, v4, vm0, $0xb8;
	[tilespmem:$0x19000] =	vst v63  }
0x9d: {  	s13 =	simm.s32 $0x11800  }
0x9e: {  	[tilespmem:s13], [sflag:$0x1] =	stream.indirect_vreg.gather [hbm4b:s2+s1], $0x80, v3, vm0, $0xb8;
	[tilespmem:$0x19000] =	vst v63  }
0x9f: {  	v3 =	vld [tilespmem:$0x10810];
	_ =	sdelay $0x4  }
0xa0: {  	v61 =	vshll.u32 v3, $0x1  }
0xa1: {  	v3 =	vand.u32 $0x7, v3;
	v4 =	vand.u32 $0xFFFFFFF0, v61  }
0xa2: {  	v3 =	vor.u32 v3, v4  }
0xa3: {  	v4 =	vperm.xlane v3, v0;
	_ =	sdelay $0x1  }
0xa4: {  	v3 =	vperm.xlane v3, v2;
	v4 =	vadd.s32 v1, v4;
	_ =	sdelay $0x1  }
0xa5: {  	v3 =	vadd.s32 v1, v3;
	_ =	sdelay $0x1  }
0xa6: {  	s14 =	simm.s32 $0x12000  }
0xa7: {  	[tilespmem:s14], [sflag:$0x1] =	stream.indirect_vreg.gather [hbm4b:s2+s1], $0x80, v4, vm0, $0xb8;
	[tilespmem:$0x19000] =	vst v63  }
0xa8: {  	s15 =	simm.s32 $0x12800  }
0xa9: {  	[tilespmem:s15], [sflag:$0x1] =	stream.indirect_vreg.gather [hbm4b:s2+s1], $0x80, v3, vm0, $0xb8;
	[tilespmem:$0x19000] =	vst v63  }
0xaa: {  	v3 =	vld [tilespmem:$0x10820];
	_ =	sdelay $0x4  }
0xab: {  	v62 =	vshll.u32 v3, $0x1  }
0xac: {  	v3 =	vand.u32 $0x7, v3;
	v4 =	vand.u32 $0xFFFFFFF0, v62  }
0xad: {  	v3 =	vor.u32 v3, v4  }
0xae: {  	v4 =	vperm.xlane v3, v0;
	_ =	sdelay $0x1  }
0xaf: {  	v3 =	vperm.xlane v3, v2;
	v4 =	vadd.s32 v1, v4;
	_ =	sdelay $0x1  }
0xb0: {  	v3 =	vadd.s32 v1, v3;
	_ =	sdelay $0x2  }
0xb1: {  	[tilespmem:s16], [sflag:$0x1] =	stream.indirect_vreg.gather [hbm4b:s2+s1], $0x80, v4, vm0, $0xb8;
	[tilespmem:$0x19000] =	vst v63  }
0xb2: {  	_ = 	snop  }
0xb3: {  	[tilespmem:s17], [sflag:$0x1] =	stream.indirect_vreg.gather [hbm4b:s2+s1], $0x80, v3, vm0, $0xb8;
	[tilespmem:$0x19000] =	vst v63  }
0xb4: {  	v3 =	vld [tilespmem:$0x10830];
	_ =	sdelay $0x4  }
0xb5: {  	v63 =	vshll.u32 v3, $0x1  }
0xb6: {  	v3 =	vand.u32 $0x7, v3;
	v4 =	vand.u32 $0xFFFFFFF0, v63  }
0xb7: {  	v3 =	vor.u32 v3, v4  }
0xb8: {  	v4 =	vperm.xlane v3, v0;
	_ =	sdelay $0x1  }
0xb9: {  	v3 =	vperm.xlane v3, v2;
	v4 =	vadd.s32 v1, v4;
	_ =	sdelay $0x1  }
0xba: {  	v3 =	vadd.s32 v1, v3;
	_ =	sdelay $0x2  }
0xbb: {  	[tilespmem:s18], [sflag:$0x1] =	stream.indirect_vreg.gather [hbm4b:s2+s1], $0x80, v4, vm0, $0xb8;
	[tilespmem:$0x19000] =	vst v63  }
0xbc: {  	s8 =	simm.s32 $0x10860  }
0xbd: {  	[tilespmem:s19], [sflag:$0x1] =	stream.indirect_vreg.gather [hbm4b:s2+s1], $0x80, v3, vm0, $0xb8;
	[tilespmem:$0x19000] =	vst v63  }
.LBB2_4:
0xbe: {  	p0 =	seq.s32 s1, $0x0  }
0xbf: {  	s9 =	simm.s32 @!p0 $0x3  }
0xc0: {  	_ =	swait.ge @!p0 [sflag:s9], $0x4000  }
0xc1: {  	[sflag:s9] =	ssyncset.done @!p0 $0x0  }
0xc2: {  	[sflag:s9] =	ssyncadd.s32 @!p0 $0xFFFFC000  }
0xc3: {  	v3 =	vld [tilespmem:s8+$0xFFFFFFE0];
	_ =	sdelay $0x4  }
0xc4: {  	v4 =	vshll.u32 v3, $0x1  }
0xc5: {  	v3 =	vand.u32 $0x7, v3;
	v4 =	vand.u32 $0xFFFFFFF0, v4  }
0xc6: {  	v3 =	vor.u32 v3, v4  }
0xc7: {  	v4 =	vperm.xlane v3, v0;
	_ =	sdelay $0x1  }
0xc8: {  	v3 =	vperm.xlane v3, v2;
	v4 =	vadd.s32 v1, v4;
	_ =	sdelay $0x1  }
0xc9: {  	v3 =	vadd.s32 v1, v3;
	_ =	sdelay $0x2  }
0xca: {  	[tilespmem:s20], [sflag:$0x2] =	stream.indirect_vreg.gather [hbm4b:s2+s3], $0x80, v4, vm0, $0xb8;
	[tilespmem:$0x19000] =	vst v63  }
0xcb: {  	_ = 	snop  }
0xcc: {  	[tilespmem:s21], [sflag:$0x2] =	stream.indirect_vreg.gather [hbm4b:s2+s3], $0x80, v3, vm0, $0xb8;
	[tilespmem:$0x19000] =	vst v63  }
0xcd: {  	v3 =	vld [tilespmem:s8+$0xFFFFFFF0];
	_ =	sdelay $0x4  }
0xce: {  	v61 =	vshll.u32 v3, $0x1  }
0xcf: {  	v3 =	vand.u32 $0x7, v3;
	v4 =	vand.u32 $0xFFFFFFF0, v61  }
0xd0: {  	v3 =	vor.u32 v3, v4  }
0xd1: {  	v4 =	vperm.xlane v3, v0;
	_ =	sdelay $0x1  }
0xd2: {  	v3 =	vperm.xlane v3, v2;
	v4 =	vadd.s32 v1, v4;
	_ =	sdelay $0x1  }
0xd3: {  	v3 =	vadd.s32 v1, v3;
	_ =	sdelay $0x2  }
0xd4: {  	[tilespmem:s22], [sflag:$0x2] =	stream.indirect_vreg.gather [hbm4b:s2+s3], $0x80, v4, vm0, $0xb8;
	[tilespmem:$0x19000] =	vst v63  }
0xd5: {  	_ = 	snop  }
0xd6: {  	[tilespmem:s23], [sflag:$0x2] =	stream.indirect_vreg.gather [hbm4b:s2+s3], $0x80, v3, vm0, $0xb8;
	[tilespmem:$0x19000] =	vst v63  }
0xd7: {  	v3 =	vld [tilespmem:s8+$0x0];
	_ =	sdelay $0x4  }
0xd8: {  	v62 =	vshll.u32 v3, $0x1  }
0xd9: {  	v3 =	vand.u32 $0x7, v3;
	v4 =	vand.u32 $0xFFFFFFF0, v62  }
0xda: {  	v3 =	vor.u32 v3, v4  }
0xdb: {  	v4 =	vperm.xlane v3, v0;
	_ =	sdelay $0x1  }
0xdc: {  	v3 =	vperm.xlane v3, v2;
	v4 =	vadd.s32 v1, v4;
	_ =	sdelay $0x1  }
0xdd: {  	v3 =	vadd.s32 v1, v3;
	_ =	sdelay $0x2  }
0xde: {  	[tilespmem:s24], [sflag:$0x2] =	stream.indirect_vreg.gather [hbm4b:s2+s3], $0x80, v4, vm0, $0xb8;
	[tilespmem:$0x19000] =	vst v63  }
0xdf: {  	_ = 	snop  }
0xe0: {  	[tilespmem:s25], [sflag:$0x2] =	stream.indirect_vreg.gather [hbm4b:s2+s3], $0x80, v3, vm0, $0xb8;
	[tilespmem:$0x19000] =	vst v63  }
0xe1: {  	v3 =	vld [tilespmem:s8+$0x10];
	_ =	sdelay $0x4  }
0xe2: {  	v63 =	vshll.u32 v3, $0x1  }
0xe3: {  	v3 =	vand.u32 $0x7, v3;
	v4 =	vand.u32 $0xFFFFFFF0, v63  }
0xe4: {  	v3 =	vor.u32 v3, v4  }
0xe5: {  	v4 =	vperm.xlane v3, v0;
	_ =	sdelay $0x1  }
0xe6: {  	v3 =	vperm.xlane v3, v2;
	v4 =	vadd.s32 v1, v4;
	_ =	sdelay $0x1  }
0xe7: {  	v3 =	vadd.s32 v1, v3;
	_ =	sdelay $0x2  }
0xe8: {  	[tilespmem:s26], [sflag:$0x2] =	stream.indirect_vreg.gather [hbm4b:s2+s3], $0x80, v4, vm0, $0xb8;
	[tilespmem:$0x19000] =	vst v63  }
0xe9: {  	_ = 	snop  }
0xea: {  	[tilespmem:s28], [sflag:$0x2] =	stream.indirect_vreg.gather [hbm4b:s2+s3], $0x80, v3, vm0, $0xb8;
	[tilespmem:$0x19000] =	vst v63  }
0xeb: {  	_ =	swait.ge [sflag:s29], $0x4000  }
0xec: {  	[sflag:s29] =	ssyncset.done $0x0  }
0xed: {  	s15 =	sadd.s32 s1, s7;
	[sflag:s29] =	ssyncadd.s32 $0xFFFFC000  }
0xee: {  	[hbm4b:s15+s3] =	stream.linear.scatter [tilespmem:s12], [sflag:$0x3], $0x4000, $0x38;
	[tilespmem:$0x19000] =	vst v63  }
0xef: {  	_ =	swait.ge [sflag:s30], $0x4000  }
0xf0: {  	[sflag:s30] =	ssyncset.done $0x0  }
0xf1: {  	p0 =	seq.s32 s1, $0xF000;
	[sflag:s30] =	ssyncadd.s32 $0xFFFFC000  }
0xf2: {  	v3 =	vld @!p0 [tilespmem:s8+$0x20];
	_ =	sdelay $0x4  }
0xf3: {  	v4 =	vshll.u32 @!p0 v3, $0x1  }
0xf4: {  	v5 =	vlaneseq.u32 @!p0;
	v3 =	vand.u32 @!p0 $0x7, v3;
	v4 =	vand.u32 @!p0 $0xFFFFFFF0, v4  }
0xf5: {  	v6 =	vshrl.u32 @!p0 v5, $0x3;
	v3 =	vor.u32 @!p0 v3, v4;
	v4 =	vand.u32 @!p0 $0x7, v5  }
0xf6: {  	v6 =	vmul.u32 @!p0 $0x8, v6;
	v7 =	vperm.xlane @!p0 v3, v4  }
0xf7: {  	v5 =	vor.u32 @!p0 $0x8, v5  }
0xf8: {  	v3 =	vperm.xlane @!p0 v3, v5;
	v7 =	vadd.s32 @!p0 v6, v7;
	_ =	sdelay $0x1  }
0xf9: {  	v3 =	vadd.s32 @!p0 v6, v3;
	_ =	sdelay $0x1  }
0xfa: {  	vm1 =	vmmov @!p0 $0xffff;
	s13 =	simm.s32 @!p0 $0x0;
	s14 =	simm.s32 @!p0 $0x11000  }
0xfb: {  	[tilespmem:s14], [sflag:$0x1] =	stream.indirect_vreg.gather @!p0 [hbm4b:s2+s13], $0x80, v7, vm1, $0xb8;
	[tilespmem:$0x19000] =	vst v63  }
0xfc: {  	s14 =	simm.s32 @!p0 $0x11800  }
0xfd: {  	[tilespmem:s14], [sflag:$0x1] =	stream.indirect_vreg.gather @!p0 [hbm4b:s2+s13], $0x80, v3, vm1, $0xb8;
	[tilespmem:$0x19000] =	vst v63  }
0xfe: {  	v3 =	vld @!p0 [tilespmem:s8+$0x30];
	_ =	sdelay $0x4  }
0xff: {  	v7 =	vshll.u32 @!p0 v3, $0x1  }
0x100: {  	v3 =	vand.u32 @!p0 $0x7, v3;
	v7 =	vand.u32 @!p0 $0xFFFFFFF0, v7  }
0x101: {  	v3 =	vor.u32 @!p0 v3, v7  }
0x102: {  	v7 =	vperm.xlane @!p0 v3, v4;
	_ =	sdelay $0x1  }
0x103: {  	v3 =	vperm.xlane @!p0 v3, v5;
	v7 =	vadd.s32 @!p0 v6, v7;
	_ =	sdelay $0x1  }
0x104: {  	v3 =	vadd.s32 @!p0 v6, v3;
	_ =	sdelay $0x1  }
0x105: {  	s14 =	simm.s32 @!p0 $0x12000  }
0x106: {  	[tilespmem:s14], [sflag:$0x1] =	stream.indirect_vreg.gather @!p0 [hbm4b:s2+s13], $0x80, v7, vm1, $0xb8;
	[tilespmem:$0x19000] =	vst v63  }
0x107: {  	s14 =	simm.s32 @!p0 $0x12800  }
0x108: {  	[tilespmem:s14], [sflag:$0x1] =	stream.indirect_vreg.gather @!p0 [hbm4b:s2+s13], $0x80, v3, vm1, $0xb8;
	[tilespmem:$0x19000] =	vst v63  }
0x109: {  	v3 =	vld @!p0 [tilespmem:s8+$0x40];
	_ =	sdelay $0x4  }
0x10a: {  	v7 =	vshll.u32 @!p0 v3, $0x1  }
0x10b: {  	v3 =	vand.u32 @!p0 $0x7, v3;
	v7 =	vand.u32 @!p0 $0xFFFFFFF0, v7  }
0x10c: {  	v3 =	vor.u32 @!p0 v3, v7  }
0x10d: {  	v7 =	vperm.xlane @!p0 v3, v4;
	_ =	sdelay $0x1  }
0x10e: {  	v3 =	vperm.xlane @!p0 v3, v5;
	v7 =	vadd.s32 @!p0 v6, v7;
	_ =	sdelay $0x1  }
0x10f: {  	v3 =	vadd.s32 @!p0 v6, v3;
	_ =	sdelay $0x1  }
0x110: {  	s14 =	simm.s32 @!p0 $0x13000  }
0x111: {  	[tilespmem:s14], [sflag:$0x1] =	stream.indirect_vreg.gather @!p0 [hbm4b:s2+s13], $0x80, v7, vm1, $0xb8;
	[tilespmem:$0x19000] =	vst v63  }
0x112: {  	s14 =	simm.s32 @!p0 $0x13800  }
0x113: {  	[tilespmem:s14], [sflag:$0x1] =	stream.indirect_vreg.gather @!p0 [hbm4b:s2+s13], $0x80, v3, vm1, $0xb8;
	[tilespmem:$0x19000] =	vst v63  }
0x114: {  	v3 =	vld @!p0 [tilespmem:s8+$0x50];
	_ =	sdelay $0x4  }
0x115: {  	v7 =	vshll.u32 @!p0 v3, $0x1  }
0x116: {  	v3 =	vand.u32 @!p0 $0x7, v3;
	v7 =	vand.u32 @!p0 $0xFFFFFFF0, v7  }
0x117: {  	v3 =	vor.u32 @!p0 v3, v7  }
0x118: {  	v4 =	vperm.xlane @!p0 v3, v4;
	_ =	sdelay $0x1  }
0x119: {  	v3 =	vperm.xlane @!p0 v3, v5;
	v4 =	vadd.s32 @!p0 v6, v4;
	_ =	sdelay $0x1  }
0x11a: {  	v3 =	vadd.s32 @!p0 v6, v3;
	_ =	sdelay $0x1  }
0x11b: {  	s14 =	simm.s32 @!p0 $0x14000  }
0x11c: {  	[tilespmem:s14], [sflag:$0x1] =	stream.indirect_vreg.gather @!p0 [hbm4b:s2+s13], $0x80, v4, vm1, $0xb8;
	[tilespmem:$0x19000] =	vst v63  }
0x11d: {  	s1 =	sadd.s32 $0x1000, s1;
	s14 =	simm.s32 @!p0 $0x14800  }
0x11e: {  	[tilespmem:s14], [sflag:$0x1] =	stream.indirect_vreg.gather @!p0 [hbm4b:s2+s13], $0x80, v3, vm1, $0xb8;
	[tilespmem:$0x19000] =	vst v63  }
0x11f: {  	p0 =	sne.s32 s1, $0x10000  }
.Ltmp1:
0x120: {  	_ = 	snop;
	(pc) =	sbr.rel @p0 .LBB2_4-.Ltmp1, $4  }
0x121: {  	_ =	swait.ge [sflag:s31], $0x4000  }
0x122: {  	[sflag:s31] =	ssyncset.done $0x0  }
0x123: {  	s9 =	sadd.s32 $0x800, s15;
	s8 =	sadd.s32 $0x80, s8;
	[sflag:s31] =	ssyncadd.s32 $0xFFFFC000  }
0x124: {  	[hbm4b:s9+s3] =	stream.linear.scatter [tilespmem:s20], [sflag:$0x3], $0x4000, $0x38;
	[tilespmem:$0x19000] =	vst v63  }
0x125: {  	s0 =	sadd.s32 $0x1, s0  }
0x126: {  	p0 =	sne.s32 s0, s6  }
.Ltmp2:
0x127: {  	_ = 	snop;
	(pc) =	sbr.rel @p0 .LBB2_1-.Ltmp2, $4  }
0x128: {  	_ = 	snop  }
0x129: {  	_ =	swait.ge [sflag:s30], $0x4000  }
0x12a: {  	[sflag:s30] =	ssyncset.done $0x0  }
0x12b: {  	[sflag:s30] =	ssyncadd.s32 $0xFFFFC000  }
0x12c: {  	_ =	sfence.sel $0x180000  }
0x12d: {  	[bflag:$0x0] =	sbarrier.arrive $0xFFFF  }
0x12e: {  	_ =	strace $0x9000004A  }
0x12f: {  	s0 =	stileid.u32;
	[bflag:$0x2] =	sbarrier.arrive $0xFFFF  }
0x130: {  	p0 =	sne.s32 s0, $0x0;
	s0 =	rddreg [dreg:$0x2]  }
0x131: {  	s0 =	sadd.s32 @!p0 $0x100000, s0  }
0x132: {  	[sflag:s0] =	ssyncadd.tile.s32 @!p0 $0x1;
	_ =	shalt  }
.Lfunc_end2:
_tile_overlayer_lowered:
.L_overlay_start_2:
0x133: {  	(tag) =	ssettag $0x2  }
0x134: {  	s0 =	rddreg [dreg:$0x0];
	s2 =	stileid.u32  }
0x135: {  	s1 =	rddreg [dreg:$0x1];
	p0 =	sne.s32 s2, $0x0  }
0x136: {  	s3 =	rddreg [dreg:$0x2];
	[bflag:$0x3] =	sbarrier.arrive $0xFFFF;
	s2 =	simm.s32 @!p0 $0x1C04  }
0x137: {  	[timem:s3], [sflag:s2] =	dma.local @!p0 [hbm:s0], s1  }
0x138: {  	s0 =	simm.s32 @!p0 $0x4  }
0x139: {  	_ =	swait.ge @!p0 [sflag:s0], s1  }
0x13a: {  	s1 =	ssub.s32 @!p0 $0x0, s1;
	[sflag:s0] =	ssyncset.done @!p0 $0x0  }
0x13b: {  	[sflag:s0] =	ssyncadd.s32 @!p0 s1  }
0x13c: {  	[bflag:$0x3] =	sbarrier.arrive $0xFFFF  }
0x13d: {  	_ =	shalt  }

</sc_bundles>
